<compile_context>
chip_gen: v7x
topology: tpu7x:2x2x1
jax: 0.10.2.dev20260603
libtpu: 0.0.44.dev20260713+nightly
codegen_flags: <defaults>
</compile_context>

<pallas_src>
import functools

import jax
import jax.numpy as jnp
from jax import lax
from jax.experimental import pallas as pl
from jax.experimental.pallas import tpu as pltpu
from jax.experimental.pallas import tpu_sc as plsc

H = 272
W = 272
C = 2
N = 500
HW = H * W
L = 16
NPAD = 512
TAIL = N - (NPAD - L)
NG = NPAD // L
CHUNK = 512
NCHUNK = NPAD // CHUNK

_mesh = plsc.VectorSubcoreMesh(
    core_axis_name="c", subcore_axis_name="s", num_cores=1, num_subcores=1
)


@functools.partial(
    pl.kernel,
    mesh=_mesh,
    out_type=jax.ShapeDtypeStruct((1,), jnp.float32),
    compiler_params=pltpu.CompilerParams(needs_layout_passes=False),
    scratch_types=[
        pltpu.VMEM((NPAD,), jnp.int32),
        pltpu.VMEM((2 * NPAD,), jnp.float32),
        pltpu.VMEM((C, N), jnp.float32),
        pltpu.VMEM((NPAD,), jnp.float32),
        pltpu.VMEM((L,), jnp.float32),
        pltpu.VMEM((L,), jnp.float32),
        pltpu.SemaphoreType.DMA,
        pltpu.SemaphoreType.DMA,
    ],
)
def _sc_l1_loss(tab_hbm, t_hbm, m_hbm, idx_hbm, out_hbm,
                idx_v, p_v, t_v, m_v, red_v, out_v, gsem, isem):

    def lane_total(x):
        for shift in (8, 4, 2, 1):
            red_v[...] = x
            perm = lax.iota(jnp.int32, L) ^ shift
            x = x + plsc.load_gather(red_v, [perm])
        return x

    lane = lax.iota(jnp.int32, L)
    tail_sl = pl.ds(NPAD - L, L)
    tail_col = jnp.where(lane < TAIL, (NPAD - L) + lane, 0)

    t_cp = pltpu.async_copy(t_hbm, t_v, isem)
    m_cp = pltpu.async_copy(m_hbm, m_v.at[pl.ds(0, N)], isem)
    pltpu.sync_copy(idx_hbm, idx_v.at[pl.ds(0, N)])
    idx_v[tail_sl] = jnp.where(lane < TAIL, idx_v[tail_sl], 0)
    tab1_hbm = tab_hbm.at[pl.ds(HW, HW)]
    copies = []
    for k in range(NCHUNK):
        isl = idx_v.at[pl.ds(CHUNK * k, CHUNK)]
        copies.append(
            pltpu.async_copy(tab_hbm.at[isl], p_v.at[pl.ds(CHUNK * k, CHUNK)], gsem)
        )
        copies.append(
            pltpu.async_copy(
                tab1_hbm.at[isl], p_v.at[pl.ds(NPAD + CHUNK * k, CHUNK)], gsem
            )
        )
    t_cp.wait()
    m_cp.wait()
    m_v[tail_sl] = jnp.where(lane < TAIL, m_v[tail_sl], 0.0)
    for cp in copies:
        cp.wait()

    def target(c, k):
        if k == NG - 1:
            return plsc.load_gather(t_v, [jnp.full((L,), c, jnp.int32), tail_col])
        return t_v[c, pl.ds(L * k, L)]

    acc = jnp.zeros((L,), jnp.float32)
    macc = jnp.zeros((L,), jnp.float32)
    for k in range(NG):
        sl = pl.ds(L * k, L)
        sl2 = pl.ds(NPAD + L * k, L)
        m = m_v[sl]
        acc = acc + jnp.abs(p_v[sl] * m - target(0, k) * m)
        acc = acc + jnp.abs(p_v[sl2] * m - target(1, k) * m)
        macc = macc + m
    ltot = lane_total(acc)
    mtot = lane_total(macc)
    out_v[...] = ltot / (mtot + 0.0001)
    pltpu.sync_copy(out_v.at[pl.ds(0, 1)], out_hbm)


def kernel(output, centerFrame_index, center_index, mask):
    tab = output.reshape(C * HW)
    msk = mask.reshape(N)
    idx = center_index.reshape(N).astype(jnp.int32)
    out = _sc_l1_loss(tab, centerFrame_index, msk, idx)
    return out.reshape(())

# --- scband reference (transcript-rebuilt; emitter-appended) ---
"""Pipeline reference for scband-reg-l1-loss2-58935541236378 (READ-ONLY COPY).

The authoritative reference and input builder live on the scoring server;
editing this copy changes nothing except your own understanding.
"""

import jax, jax.numpy as jnp
import numpy as np

H = 272
W = 272
C = 2
N = 500

def setup_inputs(seed: int = 0) -> dict:
    key = jax.random.key(seed)
    k1, k2, k3 = jax.random.split(key, 3)
    output = jax.random.normal(k1, (C, H, W), dtype=jnp.float32)
    centerFrame_index = jax.random.normal(k2, (C, N), dtype=jnp.float32)
    center_index = jax.random.randint(k3, (1, N), 0, H * W, dtype=jnp.int64)
    mask = jnp.ones((1, N), dtype=jnp.float32)
    return {"output": output, "centerFrame_index": centerFrame_index, "center_index": center_index, "mask": mask}


def _transpose_and_gather_feature(feat, index):
    # feat: [B, C, H, W] -> [B, HW, C], gather rows by index [B, N] -> [B, N, C]
    B, Cc = feat.shape[0], feat.shape[1]
    f = jnp.transpose(feat, (0, 2, 3, 1)).reshape(B, -1, Cc)
    idx = jnp.broadcast_to(index[:, :, None], (B, index.shape[1], Cc))
    return jnp.take_along_axis(f, idx, axis=1)


def reference(output, centerFrame_index, center_index, mask):
    out = output[None]  # [1, C, H, W]
    pred = _transpose_and_gather_feature(out, center_index)  # [1, N, C]
    target = jnp.transpose(centerFrame_index, (1, 0))[None]  # [1, N, C]
    m = mask[:, :, None]  # [1, N, 1]
    loss = jnp.sum(jnp.abs(pred * m - target * m))
    loss = loss / (jnp.sum(m) + 0.0001)
    return loss

if __name__ == "__main__":
    import jax
    _d = setup_inputs()
    print(jax.jit(kernel)(*tuple(_d.values())))

</pallas_src>

<mosaic_0001>
#map = affine_map<(d0, d1) -> (0)>
#map1 = affine_map<(d0, d1) -> (0, 0)>
module attributes {stable_mosaic.version = 14 : i64} {
  func.func @_sc_l1_loss(%arg0: i32, %arg1: i32, %arg2: memref<147968xf32, #tpu.memory_space<hbm>>, %arg3: memref<2x500xf32, #tpu.memory_space<hbm>>, %arg4: memref<500xf32, #tpu.memory_space<hbm>>, %arg5: memref<500xi32, #tpu.memory_space<hbm>>, %arg6: memref<1xf32, #tpu.memory_space<hbm>>, %arg7: memref<512xi32, #tpu.memory_space<vmem>>, %arg8: memref<1024xf32, #tpu.memory_space<vmem>>, %arg9: memref<2x500xf32, #tpu.memory_space<vmem>>, %arg10: memref<512xf32, #tpu.memory_space<vmem>>, %arg11: memref<16xf32, #tpu.memory_space<vmem>>, %arg12: memref<16xf32, #tpu.memory_space<vmem>>, %arg13: memref<!tpu.dma_semaphore, #tpu.memory_space<semaphore_mem>>, %arg14: memref<!tpu.dma_semaphore, #tpu.memory_space<semaphore_mem>>) attributes {dimension_semantics = [#tpu.dimension_semantics<core_parallel>, #tpu.dimension_semantics<subcore_parallel>], iteration_bounds = array<i64: 1, 1>, scalar_prefetch = 0 : i64, scratch_operands = 8 : i64, tpu.core_type = #tpu.core_type<sc_vector_subcore>, window_params = [{transform_indices = #map}, {transform_indices = #map1}, {transform_indices = #map}, {transform_indices = #map}, {transform_indices = #map}]} {
    %iota3A = tpu.iota {dimensions = array<i32: 0>} : vector<16xi32>
    %lt3A = arith.constant 4 : i32
    %lt3A_0 = vector.broadcast %lt3A : i32 to vector<16xi32>
    %lt3A_1 = arith.cmpi slt, %iota3A, %lt3A_0 : vector<16xi32>
    %add3A = arith.constant 496 : i32
    %add3A_2 = vector.broadcast %add3A : i32 to vector<16xi32>
    %add3A_3 = arith.addi %add3A_2, %iota3A : vector<16xi32>
    %jit3A = arith.constant 0 : i32
    %broadcast_in_dim3A = vector.broadcast %jit3A : i32 to vector<16xi32>
    %select_n3A = arith.select %lt3A_1, %add3A_3, %broadcast_in_dim3A : vector<16xi1>, vector<16xi32>
    tpu.enqueue_dma source(%arg3 : memref<2x500xf32, #tpu.memory_space<hbm>>) target(%arg9 : memref<2x500xf32, #tpu.memory_space<vmem>>) target_semaphore(%arg14 : memref<!tpu.dma_semaphore, #tpu.memory_space<semaphore_mem>>)
    %dma_start3A = arith.constant 0 : i32
    %dma_start3A_4 = tpu.memref_slice %arg10[%dma_start3A] : memref<512xf32, #tpu.memory_space<vmem>> -> memref<500xf32, #tpu.memory_space<vmem>>
    %dma_start3A_5 = arith.constant 0 : i32
    %dma_start3A_6 = tpu.memref_slice %arg10[%dma_start3A_5] : memref<512xf32, #tpu.memory_space<vmem>> -> memref<500xf32, #tpu.memory_space<vmem>>
    tpu.enqueue_dma source(%arg4 : memref<500xf32, #tpu.memory_space<hbm>>) target(%dma_start3A_6 : memref<500xf32, #tpu.memory_space<vmem>>) target_semaphore(%arg14 : memref<!tpu.dma_semaphore, #tpu.memory_space<semaphore_mem>>)
    "tpu.region"() ({
      %run_scoped3A = tpu.sem_alloc : memref<!tpu.dma_semaphore, #tpu.memory_space<semaphore_mem>>
      %dma_start3A_922 = arith.constant 0 : i32
      %dma_start3A_923 = tpu.memref_slice %arg7[%dma_start3A_922] : memref<512xi32, #tpu.memory_space<vmem>> -> memref<500xi32, #tpu.memory_space<vmem>>
      %dma_start3A_924 = arith.constant 0 : i32
      %dma_start3A_925 = tpu.memref_slice %arg7[%dma_start3A_924] : memref<512xi32, #tpu.memory_space<vmem>> -> memref<500xi32, #tpu.memory_space<vmem>>
      tpu.enqueue_dma source(%arg5 : memref<500xi32, #tpu.memory_space<hbm>>) target(%dma_start3A_925 : memref<500xi32, #tpu.memory_space<vmem>>) target_semaphore(%run_scoped3A : memref<!tpu.dma_semaphore, #tpu.memory_space<semaphore_mem>>)
      %dma_wait3A_926 = arith.constant 0 : i32
      %dma_wait3A_927 = tpu.memref_slice %arg7[%dma_wait3A_926] : memref<512xi32, #tpu.memory_space<vmem>> -> memref<500xi32, #tpu.memory_space<vmem>>
      %dma_wait3A_928 = arith.constant 0 : i32
      %dma_wait3A_929 = tpu.memref_slice %arg7[%dma_wait3A_928] : memref<512xi32, #tpu.memory_space<vmem>> -> memref<500xi32, #tpu.memory_space<vmem>>
      tpu.wait_dma2 semaphore(%run_scoped3A : memref<!tpu.dma_semaphore, #tpu.memory_space<semaphore_mem>>) src(%arg5 : memref<500xi32, #tpu.memory_space<hbm>>) dst(%dma_wait3A_929 : memref<500xi32, #tpu.memory_space<vmem>>)
      tpu.yield
    }) : () -> ()
    %lt3A_7 = arith.constant 4 : i32
    %lt3A_8 = vector.broadcast %lt3A_7 : i32 to vector<16xi32>
    %lt3A_9 = arith.cmpi slt, %iota3A, %lt3A_8 : vector<16xi32>
    %get3A = arith.constant 496 : index
    %get3A_10 = tpu.vector_load %arg7[%get3A] {strides = array<i32>} : memref<512xi32, #tpu.memory_space<vmem>>, vector<16xi32>,
    %jit3A_11 = arith.constant 0 : i32
    %broadcast_in_dim3A_12 = vector.broadcast %jit3A_11 : i32 to vector<16xi32>
    %select_n3A_13 = arith.select %lt3A_9, %get3A_10, %broadcast_in_dim3A_12 : vector<16xi1>, vector<16xi32>
    %swap3A = arith.constant 496 : index
    %swap3A_14 = tpu.vector_load %arg7[%swap3A] {strides = array<i32>} : memref<512xi32, #tpu.memory_space<vmem>>, vector<16xi32>,
    tpu.vector_store %arg7[%swap3A], %select_n3A_13 {strides = array<i32>} : memref<512xi32, #tpu.memory_space<vmem>>, vector<16xi32>,
    %dma_start3A_15 = arith.constant 0 : i32
    %dma_start3A_16 = tpu.memref_slice %arg8[%dma_start3A_15] : memref<1024xf32, #tpu.memory_space<vmem>> -> memref<512xf32, #tpu.memory_space<vmem>>
    %dma_start3A_17 = arith.constant 0 : i32
    %dma_start3A_18 = tpu.memref_slice %arg7[%dma_start3A_17] : memref<512xi32, #tpu.memory_space<vmem>> -> memref<512xi32, #tpu.memory_space<vmem>>
    %dma_start3A_19 = arith.constant 0 : i32
    %dma_start3A_20 = tpu.memref_slice %arg2[%dma_start3A_19] : memref<147968xf32, #tpu.memory_space<hbm>> -> memref<147968xf32, #tpu.memory_space<hbm>>
    tpu.enqueue_indirect_dma source(%dma_start3A_20 : memref<147968xf32, #tpu.memory_space<hbm>>) target(%dma_start3A_16 : memref<512xf32, #tpu.memory_space<vmem>>) offsets(%dma_start3A_18 : memref<512xi32, #tpu.memory_space<vmem>>) semaphore(%arg13 : memref<!tpu.dma_semaphore, #tpu.memory_space<semaphore_mem>>)
    %dma_start3A_21 = arith.constant 512 : i32
    %dma_start3A_22 = tpu.memref_slice %arg8[%dma_start3A_21] : memref<1024xf32, #tpu.memory_space<vmem>> -> memref<512xf32, #tpu.memory_space<vmem>>
    %dma_start3A_23 = arith.constant 0 : i32
    %dma_start3A_24 = tpu.memref_slice %arg7[%dma_start3A_23] : memref<512xi32, #tpu.memory_space<vmem>> -> memref<512xi32, #tpu.memory_space<vmem>>
    %dma_start3A_25 = arith.constant 73984 : i32
    %dma_start3A_26 = tpu.memref_slice %arg2[%dma_start3A_25] : memref<147968xf32, #tpu.memory_space<hbm>> -> memref<73984xf32, #tpu.memory_space<hbm>>
    %dma_start3A_27 = arith.constant 0 : i32
    %dma_start3A_28 = tpu.memref_slice %dma_start3A_26[%dma_start3A_27] : memref<73984xf32, #tpu.memory_space<hbm>> -> memref<73984xf32, #tpu.memory_space<hbm>>
    tpu.enqueue_indirect_dma source(%dma_start3A_28 : memref<73984xf32, #tpu.memory_space<hbm>>) target(%dma_start3A_22 : memref<512xf32, #tpu.memory_space<vmem>>) offsets(%dma_start3A_24 : memref<512xi32, #tpu.memory_space<vmem>>) semaphore(%arg13 : memref<!tpu.dma_semaphore, #tpu.memory_space<semaphore_mem>>)
    tpu.wait_dma2 semaphore(%arg14 : memref<!tpu.dma_semaphore, #tpu.memory_space<semaphore_mem>>) src(%arg3 : memref<2x500xf32, #tpu.memory_space<hbm>>) dst(%arg9 : memref<2x500xf32, #tpu.memory_space<vmem>>)
    %dma_wait3A = arith.constant 0 : i32
    %dma_wait3A_29 = tpu.memref_slice %arg10[%dma_wait3A] : memref<512xf32, #tpu.memory_space<vmem>> -> memref<500xf32, #tpu.memory_space<vmem>>
    %dma_wait3A_30 = arith.constant 0 : i32
    %dma_wait3A_31 = tpu.memref_slice %arg10[%dma_wait3A_30] : memref<512xf32, #tpu.memory_space<vmem>> -> memref<500xf32, #tpu.memory_space<vmem>>
    tpu.wait_dma2 semaphore(%arg14 : memref<!tpu.dma_semaphore, #tpu.memory_space<semaphore_mem>>) src(%arg4 : memref<500xf32, #tpu.memory_space<hbm>>) dst(%dma_wait3A_31 : memref<500xf32, #tpu.memory_space<vmem>>)
    %lt3A_32 = arith.constant 4 : i32
    %lt3A_33 = vector.broadcast %lt3A_32 : i32 to vector<16xi32>
    %lt3A_34 = arith.cmpi slt, %iota3A, %lt3A_33 : vector<16xi32>
    %get3A_35 = arith.constant 496 : index
    %get3A_36 = tpu.vector_load %arg10[%get3A_35] {strides = array<i32>} : memref<512xf32, #tpu.memory_space<vmem>>, vector<16xf32>,
    %jit3A_37 = arith.constant 0.000000e+00 : f32
    %broadcast_in_dim3A_38 = vector.broadcast %jit3A_37 : f32 to vector<16xf32>
    %select_n3A_39 = arith.select %lt3A_34, %get3A_36, %broadcast_in_dim3A_38 : vector<16xi1>, vector<16xf32>
    %swap3A_40 = arith.constant 496 : index
    %swap3A_41 = tpu.vector_load %arg10[%swap3A_40] {strides = array<i32>} : memref<512xf32, #tpu.memory_space<vmem>>, vector<16xf32>,
    tpu.vector_store %arg10[%swap3A_40], %select_n3A_39 {strides = array<i32>} : memref<512xf32, #tpu.memory_space<vmem>>, vector<16xf32>,
    %dma_wait3A_42 = arith.constant 0 : i32
    %dma_wait3A_43 = tpu.memref_slice %arg8[%dma_wait3A_42] : memref<1024xf32, #tpu.memory_space<vmem>> -> memref<512xf32, #tpu.memory_space<vmem>>
    %dma_wait3A_44 = arith.constant 0 : i32
    %dma_wait3A_45 = tpu.memref_slice %arg7[%dma_wait3A_44] : memref<512xi32, #tpu.memory_space<vmem>> -> memref<512xi32, #tpu.memory_space<vmem>>
    %dma_wait3A_46 = arith.constant 0 : i32
    %dma_wait3A_47 = tpu.memref_slice %arg2[%dma_wait3A_46] : memref<147968xf32, #tpu.memory_space<hbm>> -> memref<147968xf32, #tpu.memory_space<hbm>>
    tpu.wait_indirect_dma semaphore(%arg13 : memref<!tpu.dma_semaphore, #tpu.memory_space<semaphore_mem>>) src(%dma_wait3A_47 : memref<147968xf32, #tpu.memory_space<hbm>>) dst(%dma_wait3A_43 : memref<512xf32, #tpu.memory_space<vmem>>)
    %dma_wait3A_48 = arith.constant 512 : i32
    %dma_wait3A_49 = tpu.memref_slice %arg8[%dma_wait3A_48] : memref<1024xf32, #tpu.memory_space<vmem>> -> memref<512xf32, #tpu.memory_space<vmem>>
    %dma_wait3A_50 = arith.constant 0 : i32
    %dma_wait3A_51 = tpu.memref_slice %arg7[%dma_wait3A_50] : memref<512xi32, #tpu.memory_space<vmem>> -> memref<512xi32, #tpu.memory_space<vmem>>
    %dma_wait3A_52 = arith.constant 73984 : i32
    %dma_wait3A_53 = tpu.memref_slice %arg2[%dma_wait3A_52] : memref<147968xf32, #tpu.memory_space<hbm>> -> memref<73984xf32, #tpu.memory_space<hbm>>
    %dma_wait3A_54 = arith.constant 0 : i32
    %dma_wait3A_55 = tpu.memref_slice %dma_wait3A_53[%dma_wait3A_54] : memref<73984xf32, #tpu.memory_space<hbm>> -> memref<73984xf32, #tpu.memory_space<hbm>>
    tpu.wait_indirect_dma semaphore(%arg13 : memref<!tpu.dma_semaphore, #tpu.memory_space<semaphore_mem>>) src(%dma_wait3A_55 : memref<73984xf32, #tpu.memory_space<hbm>>) dst(%dma_wait3A_49 : memref<512xf32, #tpu.memory_space<vmem>>)
    %broadcast_in_dim3A_56 = arith.constant 0.000000e+00 : f32
    %broadcast_in_dim3A_57 = vector.broadcast %broadcast_in_dim3A_56 : f32 to vector<16xf32>
    %broadcast_in_dim3A_58 = arith.constant 0.000000e+00 : f32
    %broadcast_in_dim3A_59 = vector.broadcast %broadcast_in_dim3A_58 : f32 to vector<16xf32>
    %get3A_60 = arith.constant 0 : index
    %get3A_61 = tpu.vector_load %arg10[%get3A_60] {strides = array<i32>} : memref<512xf32, #tpu.memory_space<vmem>>, vector<16xf32>,
    %get3A_62 = arith.constant 0 : index
    %get3A_63 = tpu.vector_load %arg8[%get3A_62] {strides = array<i32>} : memref<1024xf32, #tpu.memory_space<vmem>>, vector<16xf32>,
    %mul3A = arith.mulf %get3A_63, %get3A_61 : vector<16xf32>
    %get3A_64 = arith.constant 0 : i32
    %get3A_65 = arith.index_cast %get3A_64 : i32 to index
    %get3A_66 = arith.constant 0 : index
    %get3A_67 = tpu.vector_load %arg9[%get3A_65, %get3A_66] {strides = array<i32>} : memref<2x500xf32, #tpu.memory_space<vmem>>, vector<16xf32>,
    %mul3A_68 = arith.mulf %get3A_67, %get3A_61 : vector<16xf32>
    %sub3A = arith.subf %mul3A, %mul3A_68 : vector<16xf32>
    %abs3A = math.absf %sub3A : vector<16xf32>
    %add3A_69 = arith.addf %broadcast_in_dim3A_57, %abs3A : vector<16xf32>
    %get3A_70 = arith.constant 512 : index
    %get3A_71 = tpu.vector_load %arg8[%get3A_70] {strides = array<i32>} : memref<1024xf32, #tpu.memory_space<vmem>>, vector<16xf32>,
    %mul3A_72 = arith.mulf %get3A_71, %get3A_61 : vector<16xf32>
    %get3A_73 = arith.constant 1 : i32
    %get3A_74 = arith.index_cast %get3A_73 : i32 to index
    %get3A_75 = arith.constant 0 : index
    %get3A_76 = tpu.vector_load %arg9[%get3A_74, %get3A_75] {strides = array<i32>} : memref<2x500xf32, #tpu.memory_space<vmem>>, vector<16xf32>,
    %mul3A_77 = arith.mulf %get3A_76, %get3A_61 : vector<16xf32>
    %sub3A_78 = arith.subf %mul3A_72, %mul3A_77 : vector<16xf32>
    %abs3A_79 = math.absf %sub3A_78 : vector<16xf32>
    %add3A_80 = arith.addf %add3A_69, %abs3A_79 : vector<16xf32>
    %add3A_81 = arith.addf %broadcast_in_dim3A_59, %get3A_61 : vector<16xf32>
    %get3A_82 = arith.constant 16 : index
    %get3A_83 = tpu.vector_load %arg10[%get3A_82] {strides = array<i32>} : memref<512xf32, #tpu.memory_space<vmem>>, vector<16xf32>,
    %get3A_84 = arith.constant 16 : index
    %get3A_85 = tpu.vector_load %arg8[%get3A_84] {strides = array<i32>} : memref<1024xf32, #tpu.memory_space<vmem>>, vector<16xf32>,
    %mul3A_86 = arith.mulf %get3A_85, %get3A_83 : vector<16xf32>
    %get3A_87 = arith.constant 0 : i32
    %get3A_88 = arith.index_cast %get3A_87 : i32 to index
    %get3A_89 = arith.constant 16 : index
    %get3A_90 = tpu.vector_load %arg9[%get3A_88, %get3A_89] {strides = array<i32>} : memref<2x500xf32, #tpu.memory_space<vmem>>, vector<16xf32>,
    %mul3A_91 = arith.mulf %get3A_90, %get3A_83 : vector<16xf32>
    %sub3A_92 = arith.subf %mul3A_86, %mul3A_91 : vector<16xf32>
    %abs3A_93 = math.absf %sub3A_92 : vector<16xf32>
    %add3A_94 = arith.addf %add3A_80, %abs3A_93 : vector<16xf32>
    %get3A_95 = arith.constant 528 : index
    %get3A_96 = tpu.vector_load %arg8[%get3A_95] {strides = array<i32>} : memref<1024xf32, #tpu.memory_space<vmem>>, vector<16xf32>,
    %mul3A_97 = arith.mulf %get3A_96, %get3A_83 : vector<16xf32>
    %get3A_98 = arith.constant 1 : i32
    %get3A_99 = arith.index_cast %get3A_98 : i32 to index
    %get3A_100 = arith.constant 16 : index
    %get3A_101 = tpu.vector_load %arg9[%get3A_99, %get3A_100] {strides = array<i32>} : memref<2x500xf32, #tpu.memory_space<vmem>>, vector<16xf32>,
    %mul3A_102 = arith.mulf %get3A_101, %get3A_83 : vector<16xf32>
    %sub3A_103 = arith.subf %mul3A_97, %mul3A_102 : vector<16xf32>
    %abs3A_104 = math.absf %sub3A_103 : vector<16xf32>
    %add3A_105 = arith.addf %add3A_94, %abs3A_104 : vector<16xf32>
    %add3A_106 = arith.addf %add3A_81, %get3A_83 : vector<16xf32>
    %get3A_107 = arith.constant 32 : index
    %get3A_108 = tpu.vector_load %arg10[%get3A_107] {strides = array<i32>} : memref<512xf32, #tpu.memory_space<vmem>>, vector<16xf32>,
    %get3A_109 = arith.constant 32 : index
    %get3A_110 = tpu.vector_load %arg8[%get3A_109] {strides = array<i32>} : memref<1024xf32, #tpu.memory_space<vmem>>, vector<16xf32>,
    %mul3A_111 = arith.mulf %get3A_110, %get3A_108 : vector<16xf32>
    %get3A_112 = arith.constant 0 : i32
    %get3A_113 = arith.index_cast %get3A_112 : i32 to index
    %get3A_114 = arith.constant 32 : index
    %get3A_115 = tpu.vector_load %arg9[%get3A_113, %get3A_114] {strides = array<i32>} : memref<2x500xf32, #tpu.memory_space<vmem>>, vector<16xf32>,
    %mul3A_116 = arith.mulf %get3A_115, %get3A_108 : vector<16xf32>
    %sub3A_117 = arith.subf %mul3A_111, %mul3A_116 : vector<16xf32>
    %abs3A_118 = math.absf %sub3A_117 : vector<16xf32>
    %add3A_119 = arith.addf %add3A_105, %abs3A_118 : vector<16xf32>
    %get3A_120 = arith.constant 544 : index
    %get3A_121 = tpu.vector_load %arg8[%get3A_120] {strides = array<i32>} : memref<1024xf32, #tpu.memory_space<vmem>>, vector<16xf32>,
    %mul3A_122 = arith.mulf %get3A_121, %get3A_108 : vector<16xf32>
    %get3A_123 = arith.constant 1 : i32
    %get3A_124 = arith.index_cast %get3A_123 : i32 to index
    %get3A_125 = arith.constant 32 : index
    %get3A_126 = tpu.vector_load %arg9[%get3A_124, %get3A_125] {strides = array<i32>} : memref<2x500xf32, #tpu.memory_space<vmem>>, vector<16xf32>,
    %mul3A_127 = arith.mulf %get3A_126, %get3A_108 : vector<16xf32>
    %sub3A_128 = arith.subf %mul3A_122, %mul3A_127 : vector<16xf32>
    %abs3A_129 = math.absf %sub3A_128 : vector<16xf32>
    %add3A_130 = arith.addf %add3A_119, %abs3A_129 : vector<16xf32>
    %add3A_131 = arith.addf %add3A_106, %get3A_108 : vector<16xf32>
    %get3A_132 = arith.constant 48 : index
    %get3A_133 = tpu.vector_load %arg10[%get3A_132] {strides = array<i32>} : memref<512xf32, #tpu.memory_space<vmem>>, vector<16xf32>,
    %get3A_134 = arith.constant 48 : index
    %get3A_135 = tpu.vector_load %arg8[%get3A_134] {strides = array<i32>} : memref<1024xf32, #tpu.memory_space<vmem>>, vector<16xf32>,
    %mul3A_136 = arith.mulf %get3A_135, %get3A_133 : vector<16xf32>
    %get3A_137 = arith.constant 0 : i32
    %get3A_138 = arith.index_cast %get3A_137 : i32 to index
    %get3A_139 = arith.constant 48 : index
    %get3A_140 = tpu.vector_load %arg9[%get3A_138, %get3A_139] {strides = array<i32>} : memref<2x500xf32, #tpu.memory_space<vmem>>, vector<16xf32>,
    %mul3A_141 = arith.mulf %get3A_140, %get3A_133 : vector<16xf32>
    %sub3A_142 = arith.subf %mul3A_136, %mul3A_141 : vector<16xf32>
    %abs3A_143 = math.absf %sub3A_142 : vector<16xf32>
    %add3A_144 = arith.addf %add3A_130, %abs3A_143 : vector<16xf32>
    %get3A_145 = arith.constant 560 : index
    %get3A_146 = tpu.vector_load %arg8[%get3A_145] {strides = array<i32>} : memref<1024xf32, #tpu.memory_space<vmem>>, vector<16xf32>,
    %mul3A_147 = arith.mulf %get3A_146, %get3A_133 : vector<16xf32>
    %get3A_148 = arith.constant 1 : i32
    %get3A_149 = arith.index_cast %get3A_148 : i32 to index
    %get3A_150 = arith.constant 48 : index
    %get3A_151 = tpu.vector_load %arg9[%get3A_149, %get3A_150] {strides = array<i32>} : memref<2x500xf32, #tpu.memory_space<vmem>>, vector<16xf32>,
    %mul3A_152 = arith.mulf %get3A_151, %get3A_133 : vector<16xf32>
    %sub3A_153 = arith.subf %mul3A_147, %mul3A_152 : vector<16xf32>
    %abs3A_154 = math.absf %sub3A_153 : vector<16xf32>
    %add3A_155 = arith.addf %add3A_144, %abs3A_154 : vector<16xf32>
    %add3A_156 = arith.addf %add3A_131, %get3A_133 : vector<16xf32>
    %get3A_157 = arith.constant 64 : index
    %get3A_158 = tpu.vector_load %arg10[%get3A_157] {strides = array<i32>} : memref<512xf32, #tpu.memory_space<vmem>>, vector<16xf32>,
    %get3A_159 = arith.constant 64 : index
    %get3A_160 = tpu.vector_load %arg8[%get3A_159] {strides = array<i32>} : memref<1024xf32, #tpu.memory_space<vmem>>, vector<16xf32>,
    %mul3A_161 = arith.mulf %get3A_160, %get3A_158 : vector<16xf32>
    %get3A_162 = arith.constant 0 : i32
    %get3A_163 = arith.index_cast %get3A_162 : i32 to index
    %get3A_164 = arith.constant 64 : index
    %get3A_165 = tpu.vector_load %arg9[%get3A_163, %get3A_164] {strides = array<i32>} : memref<2x500xf32, #tpu.memory_space<vmem>>, vector<16xf32>,
    %mul3A_166 = arith.mulf %get3A_165, %get3A_158 : vector<16xf32>
    %sub3A_167 = arith.subf %mul3A_161, %mul3A_166 : vector<16xf32>
    %abs3A_168 = math.absf %sub3A_167 : vector<16xf32>
    %add3A_169 = arith.addf %add3A_155, %abs3A_168 : vector<16xf32>
    %get3A_170 = arith.constant 576 : index
    %get3A_171 = tpu.vector_load %arg8[%get3A_170] {strides = array<i32>} : memref<1024xf32, #tpu.memory_space<vmem>>, vector<16xf32>,
    %mul3A_172 = arith.mulf %get3A_171, %get3A_158 : vector<16xf32>
    %get3A_173 = arith.constant 1 : i32
    %get3A_174 = arith.index_cast %get3A_173 : i32 to index
    %get3A_175 = arith.constant 64 : index
    %get3A_176 = tpu.vector_load %arg9[%get3A_174, %get3A_175] {strides = array<i32>} : memref<2x500xf32, #tpu.memory_space<vmem>>, vector<16xf32>,
    %mul3A_177 = arith.mulf %get3A_176, %get3A_158 : vector<16xf32>
    %sub3A_178 = arith.subf %mul3A_172, %mul3A_177 : vector<16xf32>
    %abs3A_179 = math.absf %sub3A_178 : vector<16xf32>
    %add3A_180 = arith.addf %add3A_169, %abs3A_179 : vector<16xf32>
    %add3A_181 = arith.addf %add3A_156, %get3A_158 : vector<16xf32>
    %get3A_182 = arith.constant 80 : index
    %get3A_183 = tpu.vector_load %arg10[%get3A_182] {strides = array<i32>} : memref<512xf32, #tpu.memory_space<vmem>>, vector<16xf32>,
    %get3A_184 = arith.constant 80 : index
    %get3A_185 = tpu.vector_load %arg8[%get3A_184] {strides = array<i32>} : memref<1024xf32, #tpu.memory_space<vmem>>, vector<16xf32>,
    %mul3A_186 = arith.mulf %get3A_185, %get3A_183 : vector<16xf32>
    %get3A_187 = arith.constant 0 : i32
    %get3A_188 = arith.index_cast %get3A_187 : i32 to index
    %get3A_189 = arith.constant 80 : index
    %get3A_190 = tpu.vector_load %arg9[%get3A_188, %get3A_189] {strides = array<i32>} : memref<2x500xf32, #tpu.memory_space<vmem>>, vector<16xf32>,
    %mul3A_191 = arith.mulf %get3A_190, %get3A_183 : vector<16xf32>
    %sub3A_192 = arith.subf %mul3A_186, %mul3A_191 : vector<16xf32>
    %abs3A_193 = math.absf %sub3A_192 : vector<16xf32>
    %add3A_194 = arith.addf %add3A_180, %abs3A_193 : vector<16xf32>
    %get3A_195 = arith.constant 592 : index
    %get3A_196 = tpu.vector_load %arg8[%get3A_195] {strides = array<i32>} : memref<1024xf32, #tpu.memory_space<vmem>>, vector<16xf32>,
    %mul3A_197 = arith.mulf %get3A_196, %get3A_183 : vector<16xf32>
    %get3A_198 = arith.constant 1 : i32
    %get3A_199 = arith.index_cast %get3A_198 : i32 to index
    %get3A_200 = arith.constant 80 : index
    %get3A_201 = tpu.vector_load %arg9[%get3A_199, %get3A_200] {strides = array<i32>} : memref<2x500xf32, #tpu.memory_space<vmem>>, vector<16xf32>,
    %mul3A_202 = arith.mulf %get3A_201, %get3A_183 : vector<16xf32>
    %sub3A_203 = arith.subf %mul3A_197, %mul3A_202 : vector<16xf32>
    %abs3A_204 = math.absf %sub3A_203 : vector<16xf32>
    %add3A_205 = arith.addf %add3A_194, %abs3A_204 : vector<16xf32>
    %add3A_206 = arith.addf %add3A_181, %get3A_183 : vector<16xf32>
    %get3A_207 = arith.constant 96 : index
    %get3A_208 = tpu.vector_load %arg10[%get3A_207] {strides = array<i32>} : memref<512xf32, #tpu.memory_space<vmem>>, vector<16xf32>,
    %get3A_209 = arith.constant 96 : index
    %get3A_210 = tpu.vector_load %arg8[%get3A_209] {strides = array<i32>} : memref<1024xf32, #tpu.memory_space<vmem>>, vector<16xf32>,
    %mul3A_211 = arith.mulf %get3A_210, %get3A_208 : vector<16xf32>
    %get3A_212 = arith.constant 0 : i32
    %get3A_213 = arith.index_cast %get3A_212 : i32 to index
    %get3A_214 = arith.constant 96 : index
    %get3A_215 = tpu.vector_load %arg9[%get3A_213, %get3A_214] {strides = array<i32>} : memref<2x500xf32, #tpu.memory_space<vmem>>, vector<16xf32>,
    %mul3A_216 = arith.mulf %get3A_215, %get3A_208 : vector<16xf32>
    %sub3A_217 = arith.subf %mul3A_211, %mul3A_216 : vector<16xf32>
    %abs3A_218 = math.absf %sub3A_217 : vector<16xf32>
    %add3A_219 = arith.addf %add3A_205, %abs3A_218 : vector<16xf32>
    %get3A_220 = arith.constant 608 : index
    %get3A_221 = tpu.vector_load %arg8[%get3A_220] {strides = array<i32>} : memref<1024xf32, #tpu.memory_space<vmem>>, vector<16xf32>,
    %mul3A_222 = arith.mulf %get3A_221, %get3A_208 : vector<16xf32>
    %get3A_223 = arith.constant 1 : i32
    %get3A_224 = arith.index_cast %get3A_223 : i32 to index
    %get3A_225 = arith.constant 96 : index
    %get3A_226 = tpu.vector_load %arg9[%get3A_224, %get3A_225] {strides = array<i32>} : memref<2x500xf32, #tpu.memory_space<vmem>>, vector<16xf32>,
    %mul3A_227 = arith.mulf %get3A_226, %get3A_208 : vector<16xf32>
    %sub3A_228 = arith.subf %mul3A_222, %mul3A_227 : vector<16xf32>
    %abs3A_229 = math.absf %sub3A_228 : vector<16xf32>
    %add3A_230 = arith.addf %add3A_219, %abs3A_229 : vector<16xf32>
    %add3A_231 = arith.addf %add3A_206, %get3A_208 : vector<16xf32>
    %get3A_232 = arith.constant 112 : index
    %get3A_233 = tpu.vector_load %arg10[%get3A_232] {strides = array<i32>} : memref<512xf32, #tpu.memory_space<vmem>>, vector<16xf32>,
    %get3A_234 = arith.constant 112 : index
    %get3A_235 = tpu.vector_load %arg8[%get3A_234] {strides = array<i32>} : memref<1024xf32, #tpu.memory_space<vmem>>, vector<16xf32>,
    %mul3A_236 = arith.mulf %get3A_235, %get3A_233 : vector<16xf32>
    %get3A_237 = arith.constant 0 : i32
    %get3A_238 = arith.index_cast %get3A_237 : i32 to index
    %get3A_239 = arith.constant 112 : index
    %get3A_240 = tpu.vector_load %arg9[%get3A_238, %get3A_239] {strides = array<i32>} : memref<2x500xf32, #tpu.memory_space<vmem>>, vector<16xf32>,
    %mul3A_241 = arith.mulf %get3A_240, %get3A_233 : vector<16xf32>
    %sub3A_242 = arith.subf %mul3A_236, %mul3A_241 : vector<16xf32>
    %abs3A_243 = math.absf %sub3A_242 : vector<16xf32>
    %add3A_244 = arith.addf %add3A_230, %abs3A_243 : vector<16xf32>
    %get3A_245 = arith.constant 624 : index
    %get3A_246 = tpu.vector_load %arg8[%get3A_245] {strides = array<i32>} : memref<1024xf32, #tpu.memory_space<vmem>>, vector<16xf32>,
    %mul3A_247 = arith.mulf %get3A_246, %get3A_233 : vector<16xf32>
    %get3A_248 = arith.constant 1 : i32
    %get3A_249 = arith.index_cast %get3A_248 : i32 to index
    %get3A_250 = arith.constant 112 : index
    %get3A_251 = tpu.vector_load %arg9[%get3A_249, %get3A_250] {strides = array<i32>} : memref<2x500xf32, #tpu.memory_space<vmem>>, vector<16xf32>,
    %mul3A_252 = arith.mulf %get3A_251, %get3A_233 : vector<16xf32>
    %sub3A_253 = arith.subf %mul3A_247, %mul3A_252 : vector<16xf32>
    %abs3A_254 = math.absf %sub3A_253 : vector<16xf32>
    %add3A_255 = arith.addf %add3A_244, %abs3A_254 : vector<16xf32>
    %add3A_256 = arith.addf %add3A_231, %get3A_233 : vector<16xf32>
    %get3A_257 = arith.constant 128 : index
    %get3A_258 = tpu.vector_load %arg10[%get3A_257] {strides = array<i32>} : memref<512xf32, #tpu.memory_space<vmem>>, vector<16xf32>,
    %get3A_259 = arith.constant 128 : index
    %get3A_260 = tpu.vector_load %arg8[%get3A_259] {strides = array<i32>} : memref<1024xf32, #tpu.memory_space<vmem>>, vector<16xf32>,
    %mul3A_261 = arith.mulf %get3A_260, %get3A_258 : vector<16xf32>
    %get3A_262 = arith.constant 0 : i32
    %get3A_263 = arith.index_cast %get3A_262 : i32 to index
    %get3A_264 = arith.constant 128 : index
    %get3A_265 = tpu.vector_load %arg9[%get3A_263, %get3A_264] {strides = array<i32>} : memref<2x500xf32, #tpu.memory_space<vmem>>, vector<16xf32>,
    %mul3A_266 = arith.mulf %get3A_265, %get3A_258 : vector<16xf32>
    %sub3A_267 = arith.subf %mul3A_261, %mul3A_266 : vector<16xf32>
    %abs3A_268 = math.absf %sub3A_267 : vector<16xf32>
    %add3A_269 = arith.addf %add3A_255, %abs3A_268 : vector<16xf32>
    %get3A_270 = arith.constant 640 : index
    %get3A_271 = tpu.vector_load %arg8[%get3A_270] {strides = array<i32>} : memref<1024xf32, #tpu.memory_space<vmem>>, vector<16xf32>,
    %mul3A_272 = arith.mulf %get3A_271, %get3A_258 : vector<16xf32>
    %get3A_273 = arith.constant 1 : i32
    %get3A_274 = arith.index_cast %get3A_273 : i32 to index
    %get3A_275 = arith.constant 128 : index
    %get3A_276 = tpu.vector_load %arg9[%get3A_274, %get3A_275] {strides = array<i32>} : memref<2x500xf32, #tpu.memory_space<vmem>>, vector<16xf32>,
    %mul3A_277 = arith.mulf %get3A_276, %get3A_258 : vector<16xf32>
    %sub3A_278 = arith.subf %mul3A_272, %mul3A_277 : vector<16xf32>
    %abs3A_279 = math.absf %sub3A_278 : vector<16xf32>
    %add3A_280 = arith.addf %add3A_269, %abs3A_279 : vector<16xf32>
    %add3A_281 = arith.addf %add3A_256, %get3A_258 : vector<16xf32>
    %get3A_282 = arith.constant 144 : index
    %get3A_283 = tpu.vector_load %arg10[%get3A_282] {strides = array<i32>} : memref<512xf32, #tpu.memory_space<vmem>>, vector<16xf32>,
    %get3A_284 = arith.constant 144 : index
    %get3A_285 = tpu.vector_load %arg8[%get3A_284] {strides = array<i32>} : memref<1024xf32, #tpu.memory_space<vmem>>, vector<16xf32>,
    %mul3A_286 = arith.mulf %get3A_285, %get3A_283 : vector<16xf32>
    %get3A_287 = arith.constant 0 : i32
    %get3A_288 = arith.index_cast %get3A_287 : i32 to index
    %get3A_289 = arith.constant 144 : index
    %get3A_290 = tpu.vector_load %arg9[%get3A_288, %get3A_289] {strides = array<i32>} : memref<2x500xf32, #tpu.memory_space<vmem>>, vector<16xf32>,
    %mul3A_291 = arith.mulf %get3A_290, %get3A_283 : vector<16xf32>
    %sub3A_292 = arith.subf %mul3A_286, %mul3A_291 : vector<16xf32>
    %abs3A_293 = math.absf %sub3A_292 : vector<16xf32>
    %add3A_294 = arith.addf %add3A_280, %abs3A_293 : vector<16xf32>
    %get3A_295 = arith.constant 656 : index
    %get3A_296 = tpu.vector_load %arg8[%get3A_295] {strides = array<i32>} : memref<1024xf32, #tpu.memory_space<vmem>>, vector<16xf32>,
    %mul3A_297 = arith.mulf %get3A_296, %get3A_283 : vector<16xf32>
    %get3A_298 = arith.constant 1 : i32
    %get3A_299 = arith.index_cast %get3A_298 : i32 to index
    %get3A_300 = arith.constant 144 : index
    %get3A_301 = tpu.vector_load %arg9[%get3A_299, %get3A_300] {strides = array<i32>} : memref<2x500xf32, #tpu.memory_space<vmem>>, vector<16xf32>,
    %mul3A_302 = arith.mulf %get3A_301, %get3A_283 : vector<16xf32>
    %sub3A_303 = arith.subf %mul3A_297, %mul3A_302 : vector<16xf32>
    %abs3A_304 = math.absf %sub3A_303 : vector<16xf32>
    %add3A_305 = arith.addf %add3A_294, %abs3A_304 : vector<16xf32>
    %add3A_306 = arith.addf %add3A_281, %get3A_283 : vector<16xf32>
    %get3A_307 = arith.constant 160 : index
    %get3A_308 = tpu.vector_load %arg10[%get3A_307] {strides = array<i32>} : memref<512xf32, #tpu.memory_space<vmem>>, vector<16xf32>,
    %get3A_309 = arith.constant 160 : index
    %get3A_310 = tpu.vector_load %arg8[%get3A_309] {strides = array<i32>} : memref<1024xf32, #tpu.memory_space<vmem>>, vector<16xf32>,
    %mul3A_311 = arith.mulf %get3A_310, %get3A_308 : vector<16xf32>
    %get3A_312 = arith.constant 0 : i32
    %get3A_313 = arith.index_cast %get3A_312 : i32 to index
    %get3A_314 = arith.constant 160 : index
    %get3A_315 = tpu.vector_load %arg9[%get3A_313, %get3A_314] {strides = array<i32>} : memref<2x500xf32, #tpu.memory_space<vmem>>, vector<16xf32>,
    %mul3A_316 = arith.mulf %get3A_315, %get3A_308 : vector<16xf32>
    %sub3A_317 = arith.subf %mul3A_311, %mul3A_316 : vector<16xf32>
    %abs3A_318 = math.absf %sub3A_317 : vector<16xf32>
    %add3A_319 = arith.addf %add3A_305, %abs3A_318 : vector<16xf32>
    %get3A_320 = arith.constant 672 : index
    %get3A_321 = tpu.vector_load %arg8[%get3A_320] {strides = array<i32>} : memref<1024xf32, #tpu.memory_space<vmem>>, vector<16xf32>,
    %mul3A_322 = arith.mulf %get3A_321, %get3A_308 : vector<16xf32>
    %get3A_323 = arith.constant 1 : i32
    %get3A_324 = arith.index_cast %get3A_323 : i32 to index
    %get3A_325 = arith.constant 160 : index
    %get3A_326 = tpu.vector_load %arg9[%get3A_324, %get3A_325] {strides = array<i32>} : memref<2x500xf32, #tpu.memory_space<vmem>>, vector<16xf32>,
    %mul3A_327 = arith.mulf %get3A_326, %get3A_308 : vector<16xf32>
    %sub3A_328 = arith.subf %mul3A_322, %mul3A_327 : vector<16xf32>
    %abs3A_329 = math.absf %sub3A_328 : vector<16xf32>
    %add3A_330 = arith.addf %add3A_319, %abs3A_329 : vector<16xf32>
    %add3A_331 = arith.addf %add3A_306, %get3A_308 : vector<16xf32>
    %get3A_332 = arith.constant 176 : index
    %get3A_333 = tpu.vector_load %arg10[%get3A_332] {strides = array<i32>} : memref<512xf32, #tpu.memory_space<vmem>>, vector<16xf32>,
    %get3A_334 = arith.constant 176 : index
    %get3A_335 = tpu.vector_load %arg8[%get3A_334] {strides = array<i32>} : memref<1024xf32, #tpu.memory_space<vmem>>, vector<16xf32>,
    %mul3A_336 = arith.mulf %get3A_335, %get3A_333 : vector<16xf32>
    %get3A_337 = arith.constant 0 : i32
    %get3A_338 = arith.index_cast %get3A_337 : i32 to index
    %get3A_339 = arith.constant 176 : index
    %get3A_340 = tpu.vector_load %arg9[%get3A_338, %get3A_339] {strides = array<i32>} : memref<2x500xf32, #tpu.memory_space<vmem>>, vector<16xf32>,
    %mul3A_341 = arith.mulf %get3A_340, %get3A_333 : vector<16xf32>
    %sub3A_342 = arith.subf %mul3A_336, %mul3A_341 : vector<16xf32>
    %abs3A_343 = math.absf %sub3A_342 : vector<16xf32>
    %add3A_344 = arith.addf %add3A_330, %abs3A_343 : vector<16xf32>
    %get3A_345 = arith.constant 688 : index
    %get3A_346 = tpu.vector_load %arg8[%get3A_345] {strides = array<i32>} : memref<1024xf32, #tpu.memory_space<vmem>>, vector<16xf32>,
    %mul3A_347 = arith.mulf %get3A_346, %get3A_333 : vector<16xf32>
    %get3A_348 = arith.constant 1 : i32
    %get3A_349 = arith.index_cast %get3A_348 : i32 to index
    %get3A_350 = arith.constant 176 : index
    %get3A_351 = tpu.vector_load %arg9[%get3A_349, %get3A_350] {strides = array<i32>} : memref<2x500xf32, #tpu.memory_space<vmem>>, vector<16xf32>,
    %mul3A_352 = arith.mulf %get3A_351, %get3A_333 : vector<16xf32>
    %sub3A_353 = arith.subf %mul3A_347, %mul3A_352 : vector<16xf32>
    %abs3A_354 = math.absf %sub3A_353 : vector<16xf32>
    %add3A_355 = arith.addf %add3A_344, %abs3A_354 : vector<16xf32>
    %add3A_356 = arith.addf %add3A_331, %get3A_333 : vector<16xf32>
    %get3A_357 = arith.constant 192 : index
    %get3A_358 = tpu.vector_load %arg10[%get3A_357] {strides = array<i32>} : memref<512xf32, #tpu.memory_space<vmem>>, vector<16xf32>,
    %get3A_359 = arith.constant 192 : index
    %get3A_360 = tpu.vector_load %arg8[%get3A_359] {strides = array<i32>} : memref<1024xf32, #tpu.memory_space<vmem>>, vector<16xf32>,
    %mul3A_361 = arith.mulf %get3A_360, %get3A_358 : vector<16xf32>
    %get3A_362 = arith.constant 0 : i32
    %get3A_363 = arith.index_cast %get3A_362 : i32 to index
    %get3A_364 = arith.constant 192 : index
    %get3A_365 = tpu.vector_load %arg9[%get3A_363, %get3A_364] {strides = array<i32>} : memref<2x500xf32, #tpu.memory_space<vmem>>, vector<16xf32>,
    %mul3A_366 = arith.mulf %get3A_365, %get3A_358 : vector<16xf32>
    %sub3A_367 = arith.subf %mul3A_361, %mul3A_366 : vector<16xf32>
    %abs3A_368 = math.absf %sub3A_367 : vector<16xf32>
    %add3A_369 = arith.addf %add3A_355, %abs3A_368 : vector<16xf32>
    %get3A_370 = arith.constant 704 : index
    %get3A_371 = tpu.vector_load %arg8[%get3A_370] {strides = array<i32>} : memref<1024xf32, #tpu.memory_space<vmem>>, vector<16xf32>,
    %mul3A_372 = arith.mulf %get3A_371, %get3A_358 : vector<16xf32>
    %get3A_373 = arith.constant 1 : i32
    %get3A_374 = arith.index_cast %get3A_373 : i32 to index
    %get3A_375 = arith.constant 192 : index
    %get3A_376 = tpu.vector_load %arg9[%get3A_374, %get3A_375] {strides = array<i32>} : memref<2x500xf32, #tpu.memory_space<vmem>>, vector<16xf32>,
    %mul3A_377 = arith.mulf %get3A_376, %get3A_358 : vector<16xf32>
    %sub3A_378 = arith.subf %mul3A_372, %mul3A_377 : vector<16xf32>
    %abs3A_379 = math.absf %sub3A_378 : vector<16xf32>
    %add3A_380 = arith.addf %add3A_369, %abs3A_379 : vector<16xf32>
    %add3A_381 = arith.addf %add3A_356, %get3A_358 : vector<16xf32>
    %get3A_382 = arith.constant 208 : index
    %get3A_383 = tpu.vector_load %arg10[%get3A_382] {strides = array<i32>} : memref<512xf32, #tpu.memory_space<vmem>>, vector<16xf32>,
    %get3A_384 = arith.constant 208 : index
    %get3A_385 = tpu.vector_load %arg8[%get3A_384] {strides = array<i32>} : memref<1024xf32, #tpu.memory_space<vmem>>, vector<16xf32>,
    %mul3A_386 = arith.mulf %get3A_385, %get3A_383 : vector<16xf32>
    %get3A_387 = arith.constant 0 : i32
    %get3A_388 = arith.index_cast %get3A_387 : i32 to index
    %get3A_389 = arith.constant 208 : index
    %get3A_390 = tpu.vector_load %arg9[%get3A_388, %get3A_389] {strides = array<i32>} : memref<2x500xf32, #tpu.memory_space<vmem>>, vector<16xf32>,
    %mul3A_391 = arith.mulf %get3A_390, %get3A_383 : vector<16xf32>
    %sub3A_392 = arith.subf %mul3A_386, %mul3A_391 : vector<16xf32>
    %abs3A_393 = math.absf %sub3A_392 : vector<16xf32>
    %add3A_394 = arith.addf %add3A_380, %abs3A_393 : vector<16xf32>
    %get3A_395 = arith.constant 720 : index
    %get3A_396 = tpu.vector_load %arg8[%get3A_395] {strides = array<i32>} : memref<1024xf32, #tpu.memory_space<vmem>>, vector<16xf32>,
    %mul3A_397 = arith.mulf %get3A_396, %get3A_383 : vector<16xf32>
    %get3A_398 = arith.constant 1 : i32
    %get3A_399 = arith.index_cast %get3A_398 : i32 to index
    %get3A_400 = arith.constant 208 : index
    %get3A_401 = tpu.vector_load %arg9[%get3A_399, %get3A_400] {strides = array<i32>} : memref<2x500xf32, #tpu.memory_space<vmem>>, vector<16xf32>,
    %mul3A_402 = arith.mulf %get3A_401, %get3A_383 : vector<16xf32>
    %sub3A_403 = arith.subf %mul3A_397, %mul3A_402 : vector<16xf32>
    %abs3A_404 = math.absf %sub3A_403 : vector<16xf32>
    %add3A_405 = arith.addf %add3A_394, %abs3A_404 : vector<16xf32>
    %add3A_406 = arith.addf %add3A_381, %get3A_383 : vector<16xf32>
    %get3A_407 = arith.constant 224 : index
    %get3A_408 = tpu.vector_load %arg10[%get3A_407] {strides = array<i32>} : memref<512xf32, #tpu.memory_space<vmem>>, vector<16xf32>,
    %get3A_409 = arith.constant 224 : index
    %get3A_410 = tpu.vector_load %arg8[%get3A_409] {strides = array<i32>} : memref<1024xf32, #tpu.memory_space<vmem>>, vector<16xf32>,
    %mul3A_411 = arith.mulf %get3A_410, %get3A_408 : vector<16xf32>
    %get3A_412 = arith.constant 0 : i32
    %get3A_413 = arith.index_cast %get3A_412 : i32 to index
    %get3A_414 = arith.constant 224 : index
    %get3A_415 = tpu.vector_load %arg9[%get3A_413, %get3A_414] {strides = array<i32>} : memref<2x500xf32, #tpu.memory_space<vmem>>, vector<16xf32>,
    %mul3A_416 = arith.mulf %get3A_415, %get3A_408 : vector<16xf32>
    %sub3A_417 = arith.subf %mul3A_411, %mul3A_416 : vector<16xf32>
    %abs3A_418 = math.absf %sub3A_417 : vector<16xf32>
    %add3A_419 = arith.addf %add3A_405, %abs3A_418 : vector<16xf32>
    %get3A_420 = arith.constant 736 : index
    %get3A_421 = tpu.vector_load %arg8[%get3A_420] {strides = array<i32>} : memref<1024xf32, #tpu.memory_space<vmem>>, vector<16xf32>,
    %mul3A_422 = arith.mulf %get3A_421, %get3A_408 : vector<16xf32>
    %get3A_423 = arith.constant 1 : i32
    %get3A_424 = arith.index_cast %get3A_423 : i32 to index
    %get3A_425 = arith.constant 224 : index
    %get3A_426 = tpu.vector_load %arg9[%get3A_424, %get3A_425] {strides = array<i32>} : memref<2x500xf32, #tpu.memory_space<vmem>>, vector<16xf32>,
    %mul3A_427 = arith.mulf %get3A_426, %get3A_408 : vector<16xf32>
    %sub3A_428 = arith.subf %mul3A_422, %mul3A_427 : vector<16xf32>
    %abs3A_429 = math.absf %sub3A_428 : vector<16xf32>
    %add3A_430 = arith.addf %add3A_419, %abs3A_429 : vector<16xf32>
    %add3A_431 = arith.addf %add3A_406, %get3A_408 : vector<16xf32>
    %get3A_432 = arith.constant 240 : index
    %get3A_433 = tpu.vector_load %arg10[%get3A_432] {strides = array<i32>} : memref<512xf32, #tpu.memory_space<vmem>>, vector<16xf32>,
    %get3A_434 = arith.constant 240 : index
    %get3A_435 = tpu.vector_load %arg8[%get3A_434] {strides = array<i32>} : memref<1024xf32, #tpu.memory_space<vmem>>, vector<16xf32>,
    %mul3A_436 = arith.mulf %get3A_435, %get3A_433 : vector<16xf32>
    %get3A_437 = arith.constant 0 : i32
    %get3A_438 = arith.index_cast %get3A_437 : i32 to index
    %get3A_439 = arith.constant 240 : index
    %get3A_440 = tpu.vector_load %arg9[%get3A_438, %get3A_439] {strides = array<i32>} : memref<2x500xf32, #tpu.memory_space<vmem>>, vector<16xf32>,
    %mul3A_441 = arith.mulf %get3A_440, %get3A_433 : vector<16xf32>
    %sub3A_442 = arith.subf %mul3A_436, %mul3A_441 : vector<16xf32>
    %abs3A_443 = math.absf %sub3A_442 : vector<16xf32>
    %add3A_444 = arith.addf %add3A_430, %abs3A_443 : vector<16xf32>
    %get3A_445 = arith.constant 752 : index
    %get3A_446 = tpu.vector_load %arg8[%get3A_445] {strides = array<i32>} : memref<1024xf32, #tpu.memory_space<vmem>>, vector<16xf32>,
    %mul3A_447 = arith.mulf %get3A_446, %get3A_433 : vector<16xf32>
    %get3A_448 = arith.constant 1 : i32
    %get3A_449 = arith.index_cast %get3A_448 : i32 to index
    %get3A_450 = arith.constant 240 : index
    %get3A_451 = tpu.vector_load %arg9[%get3A_449, %get3A_450] {strides = array<i32>} : memref<2x500xf32, #tpu.memory_space<vmem>>, vector<16xf32>,
    %mul3A_452 = arith.mulf %get3A_451, %get3A_433 : vector<16xf32>
    %sub3A_453 = arith.subf %mul3A_447, %mul3A_452 : vector<16xf32>
    %abs3A_454 = math.absf %sub3A_453 : vector<16xf32>
    %add3A_455 = arith.addf %add3A_444, %abs3A_454 : vector<16xf32>
    %add3A_456 = arith.addf %add3A_431, %get3A_433 : vector<16xf32>
    %get3A_457 = arith.constant 256 : index
    %get3A_458 = tpu.vector_load %arg10[%get3A_457] {strides = array<i32>} : memref<512xf32, #tpu.memory_space<vmem>>, vector<16xf32>,
    %get3A_459 = arith.constant 256 : index
    %get3A_460 = tpu.vector_load %arg8[%get3A_459] {strides = array<i32>} : memref<1024xf32, #tpu.memory_space<vmem>>, vector<16xf32>,
    %mul3A_461 = arith.mulf %get3A_460, %get3A_458 : vector<16xf32>
    %get3A_462 = arith.constant 0 : i32
    %get3A_463 = arith.index_cast %get3A_462 : i32 to index
    %get3A_464 = arith.constant 256 : index
    %get3A_465 = tpu.vector_load %arg9[%get3A_463, %get3A_464] {strides = array<i32>} : memref<2x500xf32, #tpu.memory_space<vmem>>, vector<16xf32>,
    %mul3A_466 = arith.mulf %get3A_465, %get3A_458 : vector<16xf32>
    %sub3A_467 = arith.subf %mul3A_461, %mul3A_466 : vector<16xf32>
    %abs3A_468 = math.absf %sub3A_467 : vector<16xf32>
    %add3A_469 = arith.addf %add3A_455, %abs3A_468 : vector<16xf32>
    %get3A_470 = arith.constant 768 : index
    %get3A_471 = tpu.vector_load %arg8[%get3A_470] {strides = array<i32>} : memref<1024xf32, #tpu.memory_space<vmem>>, vector<16xf32>,
    %mul3A_472 = arith.mulf %get3A_471, %get3A_458 : vector<16xf32>
    %get3A_473 = arith.constant 1 : i32
    %get3A_474 = arith.index_cast %get3A_473 : i32 to index
    %get3A_475 = arith.constant 256 : index
    %get3A_476 = tpu.vector_load %arg9[%get3A_474, %get3A_475] {strides = array<i32>} : memref<2x500xf32, #tpu.memory_space<vmem>>, vector<16xf32>,
    %mul3A_477 = arith.mulf %get3A_476, %get3A_458 : vector<16xf32>
    %sub3A_478 = arith.subf %mul3A_472, %mul3A_477 : vector<16xf32>
    %abs3A_479 = math.absf %sub3A_478 : vector<16xf32>
    %add3A_480 = arith.addf %add3A_469, %abs3A_479 : vector<16xf32>
    %add3A_481 = arith.addf %add3A_456, %get3A_458 : vector<16xf32>
    %get3A_482 = arith.constant 272 : index
    %get3A_483 = tpu.vector_load %arg10[%get3A_482] {strides = array<i32>} : memref<512xf32, #tpu.memory_space<vmem>>, vector<16xf32>,
    %get3A_484 = arith.constant 272 : index
    %get3A_485 = tpu.vector_load %arg8[%get3A_484] {strides = array<i32>} : memref<1024xf32, #tpu.memory_space<vmem>>, vector<16xf32>,
    %mul3A_486 = arith.mulf %get3A_485, %get3A_483 : vector<16xf32>
    %get3A_487 = arith.constant 0 : i32
    %get3A_488 = arith.index_cast %get3A_487 : i32 to index
    %get3A_489 = arith.constant 272 : index
    %get3A_490 = tpu.vector_load %arg9[%get3A_488, %get3A_489] {strides = array<i32>} : memref<2x500xf32, #tpu.memory_space<vmem>>, vector<16xf32>,
    %mul3A_491 = arith.mulf %get3A_490, %get3A_483 : vector<16xf32>
    %sub3A_492 = arith.subf %mul3A_486, %mul3A_491 : vector<16xf32>
    %abs3A_493 = math.absf %sub3A_492 : vector<16xf32>
    %add3A_494 = arith.addf %add3A_480, %abs3A_493 : vector<16xf32>
    %get3A_495 = arith.constant 784 : index
    %get3A_496 = tpu.vector_load %arg8[%get3A_495] {strides = array<i32>} : memref<1024xf32, #tpu.memory_space<vmem>>, vector<16xf32>,
    %mul3A_497 = arith.mulf %get3A_496, %get3A_483 : vector<16xf32>
    %get3A_498 = arith.constant 1 : i32
    %get3A_499 = arith.index_cast %get3A_498 : i32 to index
    %get3A_500 = arith.constant 272 : index
    %get3A_501 = tpu.vector_load %arg9[%get3A_499, %get3A_500] {strides = array<i32>} : memref<2x500xf32, #tpu.memory_space<vmem>>, vector<16xf32>,
    %mul3A_502 = arith.mulf %get3A_501, %get3A_483 : vector<16xf32>
    %sub3A_503 = arith.subf %mul3A_497, %mul3A_502 : vector<16xf32>
    %abs3A_504 = math.absf %sub3A_503 : vector<16xf32>
    %add3A_505 = arith.addf %add3A_494, %abs3A_504 : vector<16xf32>
    %add3A_506 = arith.addf %add3A_481, %get3A_483 : vector<16xf32>
    %get3A_507 = arith.constant 288 : index
    %get3A_508 = tpu.vector_load %arg10[%get3A_507] {strides = array<i32>} : memref<512xf32, #tpu.memory_space<vmem>>, vector<16xf32>,
    %get3A_509 = arith.constant 288 : index
    %get3A_510 = tpu.vector_load %arg8[%get3A_509] {strides = array<i32>} : memref<1024xf32, #tpu.memory_space<vmem>>, vector<16xf32>,
    %mul3A_511 = arith.mulf %get3A_510, %get3A_508 : vector<16xf32>
    %get3A_512 = arith.constant 0 : i32
    %get3A_513 = arith.index_cast %get3A_512 : i32 to index
    %get3A_514 = arith.constant 288 : index
    %get3A_515 = tpu.vector_load %arg9[%get3A_513, %get3A_514] {strides = array<i32>} : memref<2x500xf32, #tpu.memory_space<vmem>>, vector<16xf32>,
    %mul3A_516 = arith.mulf %get3A_515, %get3A_508 : vector<16xf32>
    %sub3A_517 = arith.subf %mul3A_511, %mul3A_516 : vector<16xf32>
    %abs3A_518 = math.absf %sub3A_517 : vector<16xf32>
    %add3A_519 = arith.addf %add3A_505, %abs3A_518 : vector<16xf32>
    %get3A_520 = arith.constant 800 : index
    %get3A_521 = tpu.vector_load %arg8[%get3A_520] {strides = array<i32>} : memref<1024xf32, #tpu.memory_space<vmem>>, vector<16xf32>,
    %mul3A_522 = arith.mulf %get3A_521, %get3A_508 : vector<16xf32>
    %get3A_523 = arith.constant 1 : i32
    %get3A_524 = arith.index_cast %get3A_523 : i32 to index
    %get3A_525 = arith.constant 288 : index
    %get3A_526 = tpu.vector_load %arg9[%get3A_524, %get3A_525] {strides = array<i32>} : memref<2x500xf32, #tpu.memory_space<vmem>>, vector<16xf32>,
    %mul3A_527 = arith.mulf %get3A_526, %get3A_508 : vector<16xf32>
    %sub3A_528 = arith.subf %mul3A_522, %mul3A_527 : vector<16xf32>
    %abs3A_529 = math.absf %sub3A_528 : vector<16xf32>
    %add3A_530 = arith.addf %add3A_519, %abs3A_529 : vector<16xf32>
    %add3A_531 = arith.addf %add3A_506, %get3A_508 : vector<16xf32>
    %get3A_532 = arith.constant 304 : index
    %get3A_533 = tpu.vector_load %arg10[%get3A_532] {strides = array<i32>} : memref<512xf32, #tpu.memory_space<vmem>>, vector<16xf32>,
    %get3A_534 = arith.constant 304 : index
    %get3A_535 = tpu.vector_load %arg8[%get3A_534] {strides = array<i32>} : memref<1024xf32, #tpu.memory_space<vmem>>, vector<16xf32>,
    %mul3A_536 = arith.mulf %get3A_535, %get3A_533 : vector<16xf32>
    %get3A_537 = arith.constant 0 : i32
    %get3A_538 = arith.index_cast %get3A_537 : i32 to index
    %get3A_539 = arith.constant 304 : index
    %get3A_540 = tpu.vector_load %arg9[%get3A_538, %get3A_539] {strides = array<i32>} : memref<2x500xf32, #tpu.memory_space<vmem>>, vector<16xf32>,
    %mul3A_541 = arith.mulf %get3A_540, %get3A_533 : vector<16xf32>
    %sub3A_542 = arith.subf %mul3A_536, %mul3A_541 : vector<16xf32>
    %abs3A_543 = math.absf %sub3A_542 : vector<16xf32>
    %add3A_544 = arith.addf %add3A_530, %abs3A_543 : vector<16xf32>
    %get3A_545 = arith.constant 816 : index
    %get3A_546 = tpu.vector_load %arg8[%get3A_545] {strides = array<i32>} : memref<1024xf32, #tpu.memory_space<vmem>>, vector<16xf32>,
    %mul3A_547 = arith.mulf %get3A_546, %get3A_533 : vector<16xf32>
    %get3A_548 = arith.constant 1 : i32
    %get3A_549 = arith.index_cast %get3A_548 : i32 to index
    %get3A_550 = arith.constant 304 : index
    %get3A_551 = tpu.vector_load %arg9[%get3A_549, %get3A_550] {strides = array<i32>} : memref<2x500xf32, #tpu.memory_space<vmem>>, vector<16xf32>,
    %mul3A_552 = arith.mulf %get3A_551, %get3A_533 : vector<16xf32>
    %sub3A_553 = arith.subf %mul3A_547, %mul3A_552 : vector<16xf32>
    %abs3A_554 = math.absf %sub3A_553 : vector<16xf32>
    %add3A_555 = arith.addf %add3A_544, %abs3A_554 : vector<16xf32>
    %add3A_556 = arith.addf %add3A_531, %get3A_533 : vector<16xf32>
    %get3A_557 = arith.constant 320 : index
    %get3A_558 = tpu.vector_load %arg10[%get3A_557] {strides = array<i32>} : memref<512xf32, #tpu.memory_space<vmem>>, vector<16xf32>,
    %get3A_559 = arith.constant 320 : index
    %get3A_560 = tpu.vector_load %arg8[%get3A_559] {strides = array<i32>} : memref<1024xf32, #tpu.memory_space<vmem>>, vector<16xf32>,
    %mul3A_561 = arith.mulf %get3A_560, %get3A_558 : vector<16xf32>
    %get3A_562 = arith.constant 0 : i32
    %get3A_563 = arith.index_cast %get3A_562 : i32 to index
    %get3A_564 = arith.constant 320 : index
    %get3A_565 = tpu.vector_load %arg9[%get3A_563, %get3A_564] {strides = array<i32>} : memref<2x500xf32, #tpu.memory_space<vmem>>, vector<16xf32>,
    %mul3A_566 = arith.mulf %get3A_565, %get3A_558 : vector<16xf32>
    %sub3A_567 = arith.subf %mul3A_561, %mul3A_566 : vector<16xf32>
    %abs3A_568 = math.absf %sub3A_567 : vector<16xf32>
    %add3A_569 = arith.addf %add3A_555, %abs3A_568 : vector<16xf32>
    %get3A_570 = arith.constant 832 : index
    %get3A_571 = tpu.vector_load %arg8[%get3A_570] {strides = array<i32>} : memref<1024xf32, #tpu.memory_space<vmem>>, vector<16xf32>,
    %mul3A_572 = arith.mulf %get3A_571, %get3A_558 : vector<16xf32>
    %get3A_573 = arith.constant 1 : i32
    %get3A_574 = arith.index_cast %get3A_573 : i32 to index
    %get3A_575 = arith.constant 320 : index
    %get3A_576 = tpu.vector_load %arg9[%get3A_574, %get3A_575] {strides = array<i32>} : memref<2x500xf32, #tpu.memory_space<vmem>>, vector<16xf32>,
    %mul3A_577 = arith.mulf %get3A_576, %get3A_558 : vector<16xf32>
    %sub3A_578 = arith.subf %mul3A_572, %mul3A_577 : vector<16xf32>
    %abs3A_579 = math.absf %sub3A_578 : vector<16xf32>
    %add3A_580 = arith.addf %add3A_569, %abs3A_579 : vector<16xf32>
    %add3A_581 = arith.addf %add3A_556, %get3A_558 : vector<16xf32>
    %get3A_582 = arith.constant 336 : index
    %get3A_583 = tpu.vector_load %arg10[%get3A_582] {strides = array<i32>} : memref<512xf32, #tpu.memory_space<vmem>>, vector<16xf32>,
    %get3A_584 = arith.constant 336 : index
    %get3A_585 = tpu.vector_load %arg8[%get3A_584] {strides = array<i32>} : memref<1024xf32, #tpu.memory_space<vmem>>, vector<16xf32>,
    %mul3A_586 = arith.mulf %get3A_585, %get3A_583 : vector<16xf32>
    %get3A_587 = arith.constant 0 : i32
    %get3A_588 = arith.index_cast %get3A_587 : i32 to index
    %get3A_589 = arith.constant 336 : index
    %get3A_590 = tpu.vector_load %arg9[%get3A_588, %get3A_589] {strides = array<i32>} : memref<2x500xf32, #tpu.memory_space<vmem>>, vector<16xf32>,
    %mul3A_591 = arith.mulf %get3A_590, %get3A_583 : vector<16xf32>
    %sub3A_592 = arith.subf %mul3A_586, %mul3A_591 : vector<16xf32>
    %abs3A_593 = math.absf %sub3A_592 : vector<16xf32>
    %add3A_594 = arith.addf %add3A_580, %abs3A_593 : vector<16xf32>
    %get3A_595 = arith.constant 848 : index
    %get3A_596 = tpu.vector_load %arg8[%get3A_595] {strides = array<i32>} : memref<1024xf32, #tpu.memory_space<vmem>>, vector<16xf32>,
    %mul3A_597 = arith.mulf %get3A_596, %get3A_583 : vector<16xf32>
    %get3A_598 = arith.constant 1 : i32
    %get3A_599 = arith.index_cast %get3A_598 : i32 to index
    %get3A_600 = arith.constant 336 : index
    %get3A_601 = tpu.vector_load %arg9[%get3A_599, %get3A_600] {strides = array<i32>} : memref<2x500xf32, #tpu.memory_space<vmem>>, vector<16xf32>,
    %mul3A_602 = arith.mulf %get3A_601, %get3A_583 : vector<16xf32>
    %sub3A_603 = arith.subf %mul3A_597, %mul3A_602 : vector<16xf32>
    %abs3A_604 = math.absf %sub3A_603 : vector<16xf32>
    %add3A_605 = arith.addf %add3A_594, %abs3A_604 : vector<16xf32>
    %add3A_606 = arith.addf %add3A_581, %get3A_583 : vector<16xf32>
    %get3A_607 = arith.constant 352 : index
    %get3A_608 = tpu.vector_load %arg10[%get3A_607] {strides = array<i32>} : memref<512xf32, #tpu.memory_space<vmem>>, vector<16xf32>,
    %get3A_609 = arith.constant 352 : index
    %get3A_610 = tpu.vector_load %arg8[%get3A_609] {strides = array<i32>} : memref<1024xf32, #tpu.memory_space<vmem>>, vector<16xf32>,
    %mul3A_611 = arith.mulf %get3A_610, %get3A_608 : vector<16xf32>
    %get3A_612 = arith.constant 0 : i32
    %get3A_613 = arith.index_cast %get3A_612 : i32 to index
    %get3A_614 = arith.constant 352 : index
    %get3A_615 = tpu.vector_load %arg9[%get3A_613, %get3A_614] {strides = array<i32>} : memref<2x500xf32, #tpu.memory_space<vmem>>, vector<16xf32>,
    %mul3A_616 = arith.mulf %get3A_615, %get3A_608 : vector<16xf32>
    %sub3A_617 = arith.subf %mul3A_611, %mul3A_616 : vector<16xf32>
    %abs3A_618 = math.absf %sub3A_617 : vector<16xf32>
    %add3A_619 = arith.addf %add3A_605, %abs3A_618 : vector<16xf32>
    %get3A_620 = arith.constant 864 : index
    %get3A_621 = tpu.vector_load %arg8[%get3A_620] {strides = array<i32>} : memref<1024xf32, #tpu.memory_space<vmem>>, vector<16xf32>,
    %mul3A_622 = arith.mulf %get3A_621, %get3A_608 : vector<16xf32>
    %get3A_623 = arith.constant 1 : i32
    %get3A_624 = arith.index_cast %get3A_623 : i32 to index
    %get3A_625 = arith.constant 352 : index
    %get3A_626 = tpu.vector_load %arg9[%get3A_624, %get3A_625] {strides = array<i32>} : memref<2x500xf32, #tpu.memory_space<vmem>>, vector<16xf32>,
    %mul3A_627 = arith.mulf %get3A_626, %get3A_608 : vector<16xf32>
    %sub3A_628 = arith.subf %mul3A_622, %mul3A_627 : vector<16xf32>
    %abs3A_629 = math.absf %sub3A_628 : vector<16xf32>
    %add3A_630 = arith.addf %add3A_619, %abs3A_629 : vector<16xf32>
    %add3A_631 = arith.addf %add3A_606, %get3A_608 : vector<16xf32>
    %get3A_632 = arith.constant 368 : index
    %get3A_633 = tpu.vector_load %arg10[%get3A_632] {strides = array<i32>} : memref<512xf32, #tpu.memory_space<vmem>>, vector<16xf32>,
    %get3A_634 = arith.constant 368 : index
    %get3A_635 = tpu.vector_load %arg8[%get3A_634] {strides = array<i32>} : memref<1024xf32, #tpu.memory_space<vmem>>, vector<16xf32>,
    %mul3A_636 = arith.mulf %get3A_635, %get3A_633 : vector<16xf32>
    %get3A_637 = arith.constant 0 : i32
    %get3A_638 = arith.index_cast %get3A_637 : i32 to index
    %get3A_639 = arith.constant 368 : index
    %get3A_640 = tpu.vector_load %arg9[%get3A_638, %get3A_639] {strides = array<i32>} : memref<2x500xf32, #tpu.memory_space<vmem>>, vector<16xf32>,
    %mul3A_641 = arith.mulf %get3A_640, %get3A_633 : vector<16xf32>
    %sub3A_642 = arith.subf %mul3A_636, %mul3A_641 : vector<16xf32>
    %abs3A_643 = math.absf %sub3A_642 : vector<16xf32>
    %add3A_644 = arith.addf %add3A_630, %abs3A_643 : vector<16xf32>
    %get3A_645 = arith.constant 880 : index
    %get3A_646 = tpu.vector_load %arg8[%get3A_645] {strides = array<i32>} : memref<1024xf32, #tpu.memory_space<vmem>>, vector<16xf32>,
    %mul3A_647 = arith.mulf %get3A_646, %get3A_633 : vector<16xf32>
    %get3A_648 = arith.constant 1 : i32
    %get3A_649 = arith.index_cast %get3A_648 : i32 to index
    %get3A_650 = arith.constant 368 : index
    %get3A_651 = tpu.vector_load %arg9[%get3A_649, %get3A_650] {strides = array<i32>} : memref<2x500xf32, #tpu.memory_space<vmem>>, vector<16xf32>,
    %mul3A_652 = arith.mulf %get3A_651, %get3A_633 : vector<16xf32>
    %sub3A_653 = arith.subf %mul3A_647, %mul3A_652 : vector<16xf32>
    %abs3A_654 = math.absf %sub3A_653 : vector<16xf32>
    %add3A_655 = arith.addf %add3A_644, %abs3A_654 : vector<16xf32>
    %add3A_656 = arith.addf %add3A_631, %get3A_633 : vector<16xf32>
    %get3A_657 = arith.constant 384 : index
    %get3A_658 = tpu.vector_load %arg10[%get3A_657] {strides = array<i32>} : memref<512xf32, #tpu.memory_space<vmem>>, vector<16xf32>,
    %get3A_659 = arith.constant 384 : index
    %get3A_660 = tpu.vector_load %arg8[%get3A_659] {strides = array<i32>} : memref<1024xf32, #tpu.memory_space<vmem>>, vector<16xf32>,
    %mul3A_661 = arith.mulf %get3A_660, %get3A_658 : vector<16xf32>
    %get3A_662 = arith.constant 0 : i32
    %get3A_663 = arith.index_cast %get3A_662 : i32 to index
    %get3A_664 = arith.constant 384 : index
    %get3A_665 = tpu.vector_load %arg9[%get3A_663, %get3A_664] {strides = array<i32>} : memref<2x500xf32, #tpu.memory_space<vmem>>, vector<16xf32>,
    %mul3A_666 = arith.mulf %get3A_665, %get3A_658 : vector<16xf32>
    %sub3A_667 = arith.subf %mul3A_661, %mul3A_666 : vector<16xf32>
    %abs3A_668 = math.absf %sub3A_667 : vector<16xf32>
    %add3A_669 = arith.addf %add3A_655, %abs3A_668 : vector<16xf32>
    %get3A_670 = arith.constant 896 : index
    %get3A_671 = tpu.vector_load %arg8[%get3A_670] {strides = array<i32>} : memref<1024xf32, #tpu.memory_space<vmem>>, vector<16xf32>,
    %mul3A_672 = arith.mulf %get3A_671, %get3A_658 : vector<16xf32>
    %get3A_673 = arith.constant 1 : i32
    %get3A_674 = arith.index_cast %get3A_673 : i32 to index
    %get3A_675 = arith.constant 384 : index
    %get3A_676 = tpu.vector_load %arg9[%get3A_674, %get3A_675] {strides = array<i32>} : memref<2x500xf32, #tpu.memory_space<vmem>>, vector<16xf32>,
    %mul3A_677 = arith.mulf %get3A_676, %get3A_658 : vector<16xf32>
    %sub3A_678 = arith.subf %mul3A_672, %mul3A_677 : vector<16xf32>
    %abs3A_679 = math.absf %sub3A_678 : vector<16xf32>
    %add3A_680 = arith.addf %add3A_669, %abs3A_679 : vector<16xf32>
    %add3A_681 = arith.addf %add3A_656, %get3A_658 : vector<16xf32>
    %get3A_682 = arith.constant 400 : index
    %get3A_683 = tpu.vector_load %arg10[%get3A_682] {strides = array<i32>} : memref<512xf32, #tpu.memory_space<vmem>>, vector<16xf32>,
    %get3A_684 = arith.constant 400 : index
    %get3A_685 = tpu.vector_load %arg8[%get3A_684] {strides = array<i32>} : memref<1024xf32, #tpu.memory_space<vmem>>, vector<16xf32>,
    %mul3A_686 = arith.mulf %get3A_685, %get3A_683 : vector<16xf32>
    %get3A_687 = arith.constant 0 : i32
    %get3A_688 = arith.index_cast %get3A_687 : i32 to index
    %get3A_689 = arith.constant 400 : index
    %get3A_690 = tpu.vector_load %arg9[%get3A_688, %get3A_689] {strides = array<i32>} : memref<2x500xf32, #tpu.memory_space<vmem>>, vector<16xf32>,
    %mul3A_691 = arith.mulf %get3A_690, %get3A_683 : vector<16xf32>
    %sub3A_692 = arith.subf %mul3A_686, %mul3A_691 : vector<16xf32>
    %abs3A_693 = math.absf %sub3A_692 : vector<16xf32>
    %add3A_694 = arith.addf %add3A_680, %abs3A_693 : vector<16xf32>
    %get3A_695 = arith.constant 912 : index
    %get3A_696 = tpu.vector_load %arg8[%get3A_695] {strides = array<i32>} : memref<1024xf32, #tpu.memory_space<vmem>>, vector<16xf32>,
    %mul3A_697 = arith.mulf %get3A_696, %get3A_683 : vector<16xf32>
    %get3A_698 = arith.constant 1 : i32
    %get3A_699 = arith.index_cast %get3A_698 : i32 to index
    %get3A_700 = arith.constant 400 : index
    %get3A_701 = tpu.vector_load %arg9[%get3A_699, %get3A_700] {strides = array<i32>} : memref<2x500xf32, #tpu.memory_space<vmem>>, vector<16xf32>,
    %mul3A_702 = arith.mulf %get3A_701, %get3A_683 : vector<16xf32>
    %sub3A_703 = arith.subf %mul3A_697, %mul3A_702 : vector<16xf32>
    %abs3A_704 = math.absf %sub3A_703 : vector<16xf32>
    %add3A_705 = arith.addf %add3A_694, %abs3A_704 : vector<16xf32>
    %add3A_706 = arith.addf %add3A_681, %get3A_683 : vector<16xf32>
    %get3A_707 = arith.constant 416 : index
    %get3A_708 = tpu.vector_load %arg10[%get3A_707] {strides = array<i32>} : memref<512xf32, #tpu.memory_space<vmem>>, vector<16xf32>,
    %get3A_709 = arith.constant 416 : index
    %get3A_710 = tpu.vector_load %arg8[%get3A_709] {strides = array<i32>} : memref<1024xf32, #tpu.memory_space<vmem>>, vector<16xf32>,
    %mul3A_711 = arith.mulf %get3A_710, %get3A_708 : vector<16xf32>
    %get3A_712 = arith.constant 0 : i32
    %get3A_713 = arith.index_cast %get3A_712 : i32 to index
    %get3A_714 = arith.constant 416 : index
    %get3A_715 = tpu.vector_load %arg9[%get3A_713, %get3A_714] {strides = array<i32>} : memref<2x500xf32, #tpu.memory_space<vmem>>, vector<16xf32>,
    %mul3A_716 = arith.mulf %get3A_715, %get3A_708 : vector<16xf32>
    %sub3A_717 = arith.subf %mul3A_711, %mul3A_716 : vector<16xf32>
    %abs3A_718 = math.absf %sub3A_717 : vector<16xf32>
    %add3A_719 = arith.addf %add3A_705, %abs3A_718 : vector<16xf32>
    %get3A_720 = arith.constant 928 : index
    %get3A_721 = tpu.vector_load %arg8[%get3A_720] {strides = array<i32>} : memref<1024xf32, #tpu.memory_space<vmem>>, vector<16xf32>,
    %mul3A_722 = arith.mulf %get3A_721, %get3A_708 : vector<16xf32>
    %get3A_723 = arith.constant 1 : i32
    %get3A_724 = arith.index_cast %get3A_723 : i32 to index
    %get3A_725 = arith.constant 416 : index
    %get3A_726 = tpu.vector_load %arg9[%get3A_724, %get3A_725] {strides = array<i32>} : memref<2x500xf32, #tpu.memory_space<vmem>>, vector<16xf32>,
    %mul3A_727 = arith.mulf %get3A_726, %get3A_708 : vector<16xf32>
    %sub3A_728 = arith.subf %mul3A_722, %mul3A_727 : vector<16xf32>
    %abs3A_729 = math.absf %sub3A_728 : vector<16xf32>
    %add3A_730 = arith.addf %add3A_719, %abs3A_729 : vector<16xf32>
    %add3A_731 = arith.addf %add3A_706, %get3A_708 : vector<16xf32>
    %get3A_732 = arith.constant 432 : index
    %get3A_733 = tpu.vector_load %arg10[%get3A_732] {strides = array<i32>} : memref<512xf32, #tpu.memory_space<vmem>>, vector<16xf32>,
    %get3A_734 = arith.constant 432 : index
    %get3A_735 = tpu.vector_load %arg8[%get3A_734] {strides = array<i32>} : memref<1024xf32, #tpu.memory_space<vmem>>, vector<16xf32>,
    %mul3A_736 = arith.mulf %get3A_735, %get3A_733 : vector<16xf32>
    %get3A_737 = arith.constant 0 : i32
    %get3A_738 = arith.index_cast %get3A_737 : i32 to index
    %get3A_739 = arith.constant 432 : index
    %get3A_740 = tpu.vector_load %arg9[%get3A_738, %get3A_739] {strides = array<i32>} : memref<2x500xf32, #tpu.memory_space<vmem>>, vector<16xf32>,
    %mul3A_741 = arith.mulf %get3A_740, %get3A_733 : vector<16xf32>
    %sub3A_742 = arith.subf %mul3A_736, %mul3A_741 : vector<16xf32>
    %abs3A_743 = math.absf %sub3A_742 : vector<16xf32>
    %add3A_744 = arith.addf %add3A_730, %abs3A_743 : vector<16xf32>
    %get3A_745 = arith.constant 944 : index
    %get3A_746 = tpu.vector_load %arg8[%get3A_745] {strides = array<i32>} : memref<1024xf32, #tpu.memory_space<vmem>>, vector<16xf32>,
    %mul3A_747 = arith.mulf %get3A_746, %get3A_733 : vector<16xf32>
    %get3A_748 = arith.constant 1 : i32
    %get3A_749 = arith.index_cast %get3A_748 : i32 to index
    %get3A_750 = arith.constant 432 : index
    %get3A_751 = tpu.vector_load %arg9[%get3A_749, %get3A_750] {strides = array<i32>} : memref<2x500xf32, #tpu.memory_space<vmem>>, vector<16xf32>,
    %mul3A_752 = arith.mulf %get3A_751, %get3A_733 : vector<16xf32>
    %sub3A_753 = arith.subf %mul3A_747, %mul3A_752 : vector<16xf32>
    %abs3A_754 = math.absf %sub3A_753 : vector<16xf32>
    %add3A_755 = arith.addf %add3A_744, %abs3A_754 : vector<16xf32>
    %add3A_756 = arith.addf %add3A_731, %get3A_733 : vector<16xf32>
    %get3A_757 = arith.constant 448 : index
    %get3A_758 = tpu.vector_load %arg10[%get3A_757] {strides = array<i32>} : memref<512xf32, #tpu.memory_space<vmem>>, vector<16xf32>,
    %get3A_759 = arith.constant 448 : index
    %get3A_760 = tpu.vector_load %arg8[%get3A_759] {strides = array<i32>} : memref<1024xf32, #tpu.memory_space<vmem>>, vector<16xf32>,
    %mul3A_761 = arith.mulf %get3A_760, %get3A_758 : vector<16xf32>
    %get3A_762 = arith.constant 0 : i32
    %get3A_763 = arith.index_cast %get3A_762 : i32 to index
    %get3A_764 = arith.constant 448 : index
    %get3A_765 = tpu.vector_load %arg9[%get3A_763, %get3A_764] {strides = array<i32>} : memref<2x500xf32, #tpu.memory_space<vmem>>, vector<16xf32>,
    %mul3A_766 = arith.mulf %get3A_765, %get3A_758 : vector<16xf32>
    %sub3A_767 = arith.subf %mul3A_761, %mul3A_766 : vector<16xf32>
    %abs3A_768 = math.absf %sub3A_767 : vector<16xf32>
    %add3A_769 = arith.addf %add3A_755, %abs3A_768 : vector<16xf32>
    %get3A_770 = arith.constant 960 : index
    %get3A_771 = tpu.vector_load %arg8[%get3A_770] {strides = array<i32>} : memref<1024xf32, #tpu.memory_space<vmem>>, vector<16xf32>,
    %mul3A_772 = arith.mulf %get3A_771, %get3A_758 : vector<16xf32>
    %get3A_773 = arith.constant 1 : i32
    %get3A_774 = arith.index_cast %get3A_773 : i32 to index
    %get3A_775 = arith.constant 448 : index
    %get3A_776 = tpu.vector_load %arg9[%get3A_774, %get3A_775] {strides = array<i32>} : memref<2x500xf32, #tpu.memory_space<vmem>>, vector<16xf32>,
    %mul3A_777 = arith.mulf %get3A_776, %get3A_758 : vector<16xf32>
    %sub3A_778 = arith.subf %mul3A_772, %mul3A_777 : vector<16xf32>
    %abs3A_779 = math.absf %sub3A_778 : vector<16xf32>
    %add3A_780 = arith.addf %add3A_769, %abs3A_779 : vector<16xf32>
    %add3A_781 = arith.addf %add3A_756, %get3A_758 : vector<16xf32>
    %get3A_782 = arith.constant 464 : index
    %get3A_783 = tpu.vector_load %arg10[%get3A_782] {strides = array<i32>} : memref<512xf32, #tpu.memory_space<vmem>>, vector<16xf32>,
    %get3A_784 = arith.constant 464 : index
    %get3A_785 = tpu.vector_load %arg8[%get3A_784] {strides = array<i32>} : memref<1024xf32, #tpu.memory_space<vmem>>, vector<16xf32>,
    %mul3A_786 = arith.mulf %get3A_785, %get3A_783 : vector<16xf32>
    %get3A_787 = arith.constant 0 : i32
    %get3A_788 = arith.index_cast %get3A_787 : i32 to index
    %get3A_789 = arith.constant 464 : index
    %get3A_790 = tpu.vector_load %arg9[%get3A_788, %get3A_789] {strides = array<i32>} : memref<2x500xf32, #tpu.memory_space<vmem>>, vector<16xf32>,
    %mul3A_791 = arith.mulf %get3A_790, %get3A_783 : vector<16xf32>
    %sub3A_792 = arith.subf %mul3A_786, %mul3A_791 : vector<16xf32>
    %abs3A_793 = math.absf %sub3A_792 : vector<16xf32>
    %add3A_794 = arith.addf %add3A_780, %abs3A_793 : vector<16xf32>
    %get3A_795 = arith.constant 976 : index
    %get3A_796 = tpu.vector_load %arg8[%get3A_795] {strides = array<i32>} : memref<1024xf32, #tpu.memory_space<vmem>>, vector<16xf32>,
    %mul3A_797 = arith.mulf %get3A_796, %get3A_783 : vector<16xf32>
    %get3A_798 = arith.constant 1 : i32
    %get3A_799 = arith.index_cast %get3A_798 : i32 to index
    %get3A_800 = arith.constant 464 : index
    %get3A_801 = tpu.vector_load %arg9[%get3A_799, %get3A_800] {strides = array<i32>} : memref<2x500xf32, #tpu.memory_space<vmem>>, vector<16xf32>,
    %mul3A_802 = arith.mulf %get3A_801, %get3A_783 : vector<16xf32>
    %sub3A_803 = arith.subf %mul3A_797, %mul3A_802 : vector<16xf32>
    %abs3A_804 = math.absf %sub3A_803 : vector<16xf32>
    %add3A_805 = arith.addf %add3A_794, %abs3A_804 : vector<16xf32>
    %add3A_806 = arith.addf %add3A_781, %get3A_783 : vector<16xf32>
    %get3A_807 = arith.constant 480 : index
    %get3A_808 = tpu.vector_load %arg10[%get3A_807] {strides = array<i32>} : memref<512xf32, #tpu.memory_space<vmem>>, vector<16xf32>,
    %get3A_809 = arith.constant 480 : index
    %get3A_810 = tpu.vector_load %arg8[%get3A_809] {strides = array<i32>} : memref<1024xf32, #tpu.memory_space<vmem>>, vector<16xf32>,
    %mul3A_811 = arith.mulf %get3A_810, %get3A_808 : vector<16xf32>
    %get3A_812 = arith.constant 0 : i32
    %get3A_813 = arith.index_cast %get3A_812 : i32 to index
    %get3A_814 = arith.constant 480 : index
    %get3A_815 = tpu.vector_load %arg9[%get3A_813, %get3A_814] {strides = array<i32>} : memref<2x500xf32, #tpu.memory_space<vmem>>, vector<16xf32>,
    %mul3A_816 = arith.mulf %get3A_815, %get3A_808 : vector<16xf32>
    %sub3A_817 = arith.subf %mul3A_811, %mul3A_816 : vector<16xf32>
    %abs3A_818 = math.absf %sub3A_817 : vector<16xf32>
    %add3A_819 = arith.addf %add3A_805, %abs3A_818 : vector<16xf32>
    %get3A_820 = arith.constant 992 : index
    %get3A_821 = tpu.vector_load %arg8[%get3A_820] {strides = array<i32>} : memref<1024xf32, #tpu.memory_space<vmem>>, vector<16xf32>,
    %mul3A_822 = arith.mulf %get3A_821, %get3A_808 : vector<16xf32>
    %get3A_823 = arith.constant 1 : i32
    %get3A_824 = arith.index_cast %get3A_823 : i32 to index
    %get3A_825 = arith.constant 480 : index
    %get3A_826 = tpu.vector_load %arg9[%get3A_824, %get3A_825] {strides = array<i32>} : memref<2x500xf32, #tpu.memory_space<vmem>>, vector<16xf32>,
    %mul3A_827 = arith.mulf %get3A_826, %get3A_808 : vector<16xf32>
    %sub3A_828 = arith.subf %mul3A_822, %mul3A_827 : vector<16xf32>
    %abs3A_829 = math.absf %sub3A_828 : vector<16xf32>
    %add3A_830 = arith.addf %add3A_819, %abs3A_829 : vector<16xf32>
    %add3A_831 = arith.addf %add3A_806, %get3A_808 : vector<16xf32>
    %get3A_832 = arith.constant 496 : index
    %get3A_833 = tpu.vector_load %arg10[%get3A_832] {strides = array<i32>} : memref<512xf32, #tpu.memory_space<vmem>>, vector<16xf32>,
    %get3A_834 = arith.constant 496 : index
    %get3A_835 = tpu.vector_load %arg8[%get3A_834] {strides = array<i32>} : memref<1024xf32, #tpu.memory_space<vmem>>, vector<16xf32>,
    %mul3A_836 = arith.mulf %get3A_835, %get3A_833 : vector<16xf32>
    %broadcast_in_dim3A_837 = arith.constant 0 : i32
    %broadcast_in_dim3A_838 = vector.broadcast %broadcast_in_dim3A_837 : i32 to vector<16xi32>
    %gather3A = tpu.vector_load_idx %arg9[%broadcast_in_dim3A_838, %select_n3A] : memref<2x500xf32, #tpu.memory_space<vmem>>[vector<16xi32>, vector<16xi32>], vector<16xf32>,
    %mul3A_839 = arith.mulf %gather3A, %get3A_833 : vector<16xf32>
    %sub3A_840 = arith.subf %mul3A_836, %mul3A_839 : vector<16xf32>
    %abs3A_841 = math.absf %sub3A_840 : vector<16xf32>
    %add3A_842 = arith.addf %add3A_830, %abs3A_841 : vector<16xf32>
    %get3A_843 = arith.constant 1008 : index
    %get3A_844 = tpu.vector_load %arg8[%get3A_843] {strides = array<i32>} : memref<1024xf32, #tpu.memory_space<vmem>>, vector<16xf32>,
    %mul3A_845 = arith.mulf %get3A_844, %get3A_833 : vector<16xf32>
    %broadcast_in_dim3A_846 = arith.constant 1 : i32
    %broadcast_in_dim3A_847 = vector.broadcast %broadcast_in_dim3A_846 : i32 to vector<16xi32>
    %gather3A_848 = tpu.vector_load_idx %arg9[%broadcast_in_dim3A_847, %select_n3A] : memref<2x500xf32, #tpu.memory_space<vmem>>[vector<16xi32>, vector<16xi32>], vector<16xf32>,
    %mul3A_849 = arith.mulf %gather3A_848, %get3A_833 : vector<16xf32>
    %sub3A_850 = arith.subf %mul3A_845, %mul3A_849 : vector<16xf32>
    %abs3A_851 = math.absf %sub3A_850 : vector<16xf32>
    %add3A_852 = arith.addf %add3A_842, %abs3A_851 : vector<16xf32>
    %add3A_853 = arith.addf %add3A_831, %get3A_833 : vector<16xf32>
    %swap3A_854 = arith.constant 0 : index
    %swap3A_855 = tpu.vector_load %arg11[%swap3A_854] {strides = array<i32>} : memref<16xf32, #tpu.memory_space<vmem>>, vector<16xf32>,
    tpu.vector_store %arg11[%swap3A_854], %add3A_852 {strides = array<i32>} : memref<16xf32, #tpu.memory_space<vmem>>, vector<16xf32>,
    %iota3A_856 = tpu.iota {dimensions = array<i32: 0>} : vector<16xi32>
    %xor3A = arith.constant 8 : i32
    %xor3A_857 = vector.broadcast %xor3A : i32 to vector<16xi32>
    %xor3A_858 = arith.xori %iota3A_856, %xor3A_857 : vector<16xi32>
    %gather3A_859 = tpu.vector_load_idx %arg11[%xor3A_858] : memref<16xf32, #tpu.memory_space<vmem>>[vector<16xi32>], vector<16xf32>,
    %add3A_860 = arith.addf %add3A_852, %gather3A_859 : vector<16xf32>
    %swap3A_861 = arith.constant 0 : index
    %swap3A_862 = tpu.vector_load %arg11[%swap3A_861] {strides = array<i32>} : memref<16xf32, #tpu.memory_space<vmem>>, vector<16xf32>,
    tpu.vector_store %arg11[%swap3A_861], %add3A_860 {strides = array<i32>} : memref<16xf32, #tpu.memory_space<vmem>>, vector<16xf32>,
    %iota3A_863 = tpu.iota {dimensions = array<i32: 0>} : vector<16xi32>
    %xor3A_864 = arith.constant 4 : i32
    %xor3A_865 = vector.broadcast %xor3A_864 : i32 to vector<16xi32>
    %xor3A_866 = arith.xori %iota3A_863, %xor3A_865 : vector<16xi32>
    %gather3A_867 = tpu.vector_load_idx %arg11[%xor3A_866] : memref<16xf32, #tpu.memory_space<vmem>>[vector<16xi32>], vector<16xf32>,
    %add3A_868 = arith.addf %add3A_860, %gather3A_867 : vector<16xf32>
    %swap3A_869 = arith.constant 0 : index
    %swap3A_870 = tpu.vector_load %arg11[%swap3A_869] {strides = array<i32>} : memref<16xf32, #tpu.memory_space<vmem>>, vector<16xf32>,
    tpu.vector_store %arg11[%swap3A_869], %add3A_868 {strides = array<i32>} : memref<16xf32, #tpu.memory_space<vmem>>, vector<16xf32>,
    %iota3A_871 = tpu.iota {dimensions = array<i32: 0>} : vector<16xi32>
    %xor3A_872 = arith.constant 2 : i32
    %xor3A_873 = vector.broadcast %xor3A_872 : i32 to vector<16xi32>
    %xor3A_874 = arith.xori %iota3A_871, %xor3A_873 : vector<16xi32>
    %gather3A_875 = tpu.vector_load_idx %arg11[%xor3A_874] : memref<16xf32, #tpu.memory_space<vmem>>[vector<16xi32>], vector<16xf32>,
    %add3A_876 = arith.addf %add3A_868, %gather3A_875 : vector<16xf32>
    %swap3A_877 = arith.constant 0 : index
    %swap3A_878 = tpu.vector_load %arg11[%swap3A_877] {strides = array<i32>} : memref<16xf32, #tpu.memory_space<vmem>>, vector<16xf32>,
    tpu.vector_store %arg11[%swap3A_877], %add3A_876 {strides = array<i32>} : memref<16xf32, #tpu.memory_space<vmem>>, vector<16xf32>,
    %iota3A_879 = tpu.iota {dimensions = array<i32: 0>} : vector<16xi32>
    %xor3A_880 = arith.constant 1 : i32
    %xor3A_881 = vector.broadcast %xor3A_880 : i32 to vector<16xi32>
    %xor3A_882 = arith.xori %iota3A_879, %xor3A_881 : vector<16xi32>
    %gather3A_883 = tpu.vector_load_idx %arg11[%xor3A_882] : memref<16xf32, #tpu.memory_space<vmem>>[vector<16xi32>], vector<16xf32>,
    %add3A_884 = arith.addf %add3A_876, %gather3A_883 : vector<16xf32>
    %swap3A_885 = arith.constant 0 : index
    %swap3A_886 = tpu.vector_load %arg11[%swap3A_885] {strides = array<i32>} : memref<16xf32, #tpu.memory_space<vmem>>, vector<16xf32>,
    tpu.vector_store %arg11[%swap3A_885], %add3A_853 {strides = array<i32>} : memref<16xf32, #tpu.memory_space<vmem>>, vector<16xf32>,
    %iota3A_887 = tpu.iota {dimensions = array<i32: 0>} : vector<16xi32>
    %xor3A_888 = arith.constant 8 : i32
    %xor3A_889 = vector.broadcast %xor3A_888 : i32 to vector<16xi32>
    %xor3A_890 = arith.xori %iota3A_887, %xor3A_889 : vector<16xi32>
    %gather3A_891 = tpu.vector_load_idx %arg11[%xor3A_890] : memref<16xf32, #tpu.memory_space<vmem>>[vector<16xi32>], vector<16xf32>,
    %add3A_892 = arith.addf %add3A_853, %gather3A_891 : vector<16xf32>
    %swap3A_893 = arith.constant 0 : index
    %swap3A_894 = tpu.vector_load %arg11[%swap3A_893] {strides = array<i32>} : memref<16xf32, #tpu.memory_space<vmem>>, vector<16xf32>,
    tpu.vector_store %arg11[%swap3A_893], %add3A_892 {strides = array<i32>} : memref<16xf32, #tpu.memory_space<vmem>>, vector<16xf32>,
    %iota3A_895 = tpu.iota {dimensions = array<i32: 0>} : vector<16xi32>
    %xor3A_896 = arith.constant 4 : i32
    %xor3A_897 = vector.broadcast %xor3A_896 : i32 to vector<16xi32>
    %xor3A_898 = arith.xori %iota3A_895, %xor3A_897 : vector<16xi32>
    %gather3A_899 = tpu.vector_load_idx %arg11[%xor3A_898] : memref<16xf32, #tpu.memory_space<vmem>>[vector<16xi32>], vector<16xf32>,
    %add3A_900 = arith.addf %add3A_892, %gather3A_899 : vector<16xf32>
    %swap3A_901 = arith.constant 0 : index
    %swap3A_902 = tpu.vector_load %arg11[%swap3A_901] {strides = array<i32>} : memref<16xf32, #tpu.memory_space<vmem>>, vector<16xf32>,
    tpu.vector_store %arg11[%swap3A_901], %add3A_900 {strides = array<i32>} : memref<16xf32, #tpu.memory_space<vmem>>, vector<16xf32>,
    %iota3A_903 = tpu.iota {dimensions = array<i32: 0>} : vector<16xi32>
    %xor3A_904 = arith.constant 2 : i32
    %xor3A_905 = vector.broadcast %xor3A_904 : i32 to vector<16xi32>
    %xor3A_906 = arith.xori %iota3A_903, %xor3A_905 : vector<16xi32>
    %gather3A_907 = tpu.vector_load_idx %arg11[%xor3A_906] : memref<16xf32, #tpu.memory_space<vmem>>[vector<16xi32>], vector<16xf32>,
    %add3A_908 = arith.addf %add3A_900, %gather3A_907 : vector<16xf32>
    %swap3A_909 = arith.constant 0 : index
    %swap3A_910 = tpu.vector_load %arg11[%swap3A_909] {strides = array<i32>} : memref<16xf32, #tpu.memory_space<vmem>>, vector<16xf32>,
    tpu.vector_store %arg11[%swap3A_909], %add3A_908 {strides = array<i32>} : memref<16xf32, #tpu.memory_space<vmem>>, vector<16xf32>,
    %iota3A_911 = tpu.iota {dimensions = array<i32: 0>} : vector<16xi32>
    %xor3A_912 = arith.constant 1 : i32
    %xor3A_913 = vector.broadcast %xor3A_912 : i32 to vector<16xi32>
    %xor3A_914 = arith.xori %iota3A_911, %xor3A_913 : vector<16xi32>
    %gather3A_915 = tpu.vector_load_idx %arg11[%xor3A_914] : memref<16xf32, #tpu.memory_space<vmem>>[vector<16xi32>], vector<16xf32>,
    %add3A_916 = arith.addf %add3A_908, %gather3A_915 : vector<16xf32>
    %add3A_917 = arith.constant 9.99999974E-5 : f32
    %add3A_918 = vector.broadcast %add3A_917 : f32 to vector<16xf32>
    %add3A_919 = arith.addf %add3A_916, %add3A_918 : vector<16xf32>
    %div3A = arith.divf %add3A_884, %add3A_919 : vector<16xf32>
    %swap3A_920 = arith.constant 0 : index
    %swap3A_921 = tpu.vector_load %arg12[%swap3A_920] {strides = array<i32>} : memref<16xf32, #tpu.memory_space<vmem>>, vector<16xf32>,
    tpu.vector_store %arg12[%swap3A_920], %div3A {strides = array<i32>} : memref<16xf32, #tpu.memory_space<vmem>>, vector<16xf32>,
    "tpu.region"() ({
      %run_scoped3A = tpu.sem_alloc : memref<!tpu.dma_semaphore, #tpu.memory_space<semaphore_mem>>
      %dma_start3A_922 = arith.constant 0 : i32
      %dma_start3A_923 = tpu.memref_slice %arg12[%dma_start3A_922] : memref<16xf32, #tpu.memory_space<vmem>> -> memref<1xf32, #tpu.memory_space<vmem>>
      %dma_start3A_924 = arith.constant 0 : i32
      %dma_start3A_925 = tpu.memref_slice %arg12[%dma_start3A_924] : memref<16xf32, #tpu.memory_space<vmem>> -> memref<1xf32, #tpu.memory_space<vmem>>
      tpu.enqueue_dma source(%dma_start3A_925 : memref<1xf32, #tpu.memory_space<vmem>>) target(%arg6 : memref<1xf32, #tpu.memory_space<hbm>>) target_semaphore(%run_scoped3A : memref<!tpu.dma_semaphore, #tpu.memory_space<semaphore_mem>>)
      %dma_wait3A_926 = arith.constant 0 : i32
      %dma_wait3A_927 = tpu.memref_slice %arg12[%dma_wait3A_926] : memref<16xf32, #tpu.memory_space<vmem>> -> memref<1xf32, #tpu.memory_space<vmem>>
      %dma_wait3A_928 = arith.constant 0 : i32
      %dma_wait3A_929 = tpu.memref_slice %arg12[%dma_wait3A_928] : memref<16xf32, #tpu.memory_space<vmem>> -> memref<1xf32, #tpu.memory_space<vmem>>
      tpu.wait_dma2 semaphore(%run_scoped3A : memref<!tpu.dma_semaphore, #tpu.memory_space<semaphore_mem>>) src(%dma_wait3A_929 : memref<1xf32, #tpu.memory_space<vmem>>) dst(%arg6 : memref<1xf32, #tpu.memory_space<hbm>>)
      tpu.yield
    }) : () -> ()
    return
  }
}

</mosaic_0001>

<sc_bundles>
// kernel: kernel.3.cloned.1.call-start
scs
__scs_entry_jumppad:
0x0: {  	(pc) =	sbr.rel $0x88, $3  }
0x1: {  	(tag) =	ssettag $0x0;
	lr =	simm.s32 $0x1  }
0x2: {  	[smem:$0x3F9D] =	sst lr;
	_ =	strace $0xD0000000  }
0x3: {  	_ = 	snop  }
0x4: {  	_ = 	snop  }
0x5: {  	_ = 	snop  }
0x6: {  	_ = 	snop  }
0x7: {  	_ = 	snop  }
__scs_overlays_trampoline_lowered:
0x8: {  	[smem:$0x3FAC] =	sst s0  }
0x9: {  	[smem:$0x3FAD] =	sst s1  }
0xa: {  	[smem:$0x3FAE] =	sst s2  }
0xb: {  	[smem:$0x3FAF] =	sst s3  }
0xc: {  	[smem:$0x3FB0] =	sst s4  }
0xd: {  	[smem:$0x3FB1] =	sst s5  }
0xe: {  	[smem:$0x3FB2] =	sst s6  }
0xf: {  	[smem:$0x3FB3] =	sst s7  }
0x10: {  	[smem:$0x3FB4] =	sst s8  }
0x11: {  	[smem:$0x3FB5] =	sst s9;
	s0 =	simm.s32 @!p0 $0x0  }
0x12: {  	s1 =	sld [smem:$0x3F9B];
	s0 =	simm.s32 @p0 $0x1  }
0x13: {  	[smem:$0x3FB6] =	sst s0;
	s0 =	simm.s32 @!p1 $0x0  }
0x14: {  	s2 =	sld [smem:$0x3F9A];
	s0 =	simm.s32 @p1 $0x1  }
0x15: {  	[smem:$0x3FB7] =	sst s0;
	s0 =	simm.s32 @!p2 $0x0  }
0x16: {  	s3 =	sld [smem:$0x3FDB];
	s0 =	simm.s32 @p2 $0x1  }
0x17: {  	s4 =	simm.s32 $0x1BF5;
	[smem:$0x3FB9] =	sst s0  }
0x18: {  	s0 =	sld [smem:$0x3F9C];
	_ =	swait.ge [sflag:s4], $0x0  }
0x19: {  	s7 =	sld [smem:$0x3F9D]  }
0x1a: {  	s8 =	sadd.s32 $0xFFFFE003, lr  }
0x1b: {  	s9 =	sadd.s32 $0xFFFFFEF7, lr;
	s5 =	simm.s32 $0xFFFFFFFF;
	p2 =	slt.u32 s8, $0xFFFFF086  }
0x1c: {  	p1 =	slt.u32 s9, $0xF7A;
	s5 =	simm.s32 @!p2 $0x0  }
0x1d: {  	s5 =	simm.s32 @p1 $0x1;
	p0 =	seq.s32 s7, s2  }
0x1e: {  	s7 =	smul.u32 @!p0 $0xF7A, s2;
	p2 =	seq.s32 @!p0 s5, $0x0  }
0x1f: {  	s9 =	smul.u32 $0xF7A, s1;
	s8 =	simm.s32 @!p0 $0x1BF5;
	p2 =	por !p2, p0  }
0x20: {  	[sflag:s8] =	ssyncset.s32 @!p0 $0xFFFFF086;
	s6 =	sadd.s32 @!p0 s3, s7;
	s7 =	simm.s32 @!p0 $0x108  }
0x21: {  	s3 =	sadd.s32 s3, s9;
	s6 =	sadd.s32 @!p0 $0x88, s6;
	s7 =	simm.s32 @p2 $0x1082  }
0x22: {  	[simem:s7], [sflag:s8] =	dma.local @!p0 [hbm:s6], $0xF7A  }
0x23: {  	s9 =	sor.u32 $0xD0000000, s2;
	s6 =	simm.s32 $0x108;
	_ =	swait.ge @!p0 [sflag:s8], $0x0  }
0x24: {  	s3 =	sadd.s32 $0x88, s3;
	s6 =	simm.s32 @!p1 $0x1082;
	[sflag:s4] =	ssyncset.s32 $0xFFFFF086  }
0x25: {  	[simem:s6], [sflag:s4] =	dma.local [hbm:s3], $0xF7A  }
0x26: {  	[smem:$0x3F9D] =	sst s1;
	(tag) =	ssettag s2;
	_ =	strace s9  }
0x27: {  	s1 =	sld [smem:$0x3FAD]  }
0x28: {  	s2 =	sld [smem:$0x3FAE]  }
0x29: {  	s4 =	sld [smem:$0x3FB0]  }
0x2a: {  	p0 =	seq.s32 s5, $0x0;
	s5 =	sld [smem:$0x3FB1]  }
0x2b: {  	s6 =	sld [smem:$0x3FB2]  }
0x2c: {  	s7 =	sld [smem:$0x3FB3]  }
0x2d: {  	s3 =	simm.s32 $0x108;
	s8 =	sld [smem:$0x3FB4]  }
0x2e: {  	s3 =	simm.s32 @!p0 $0x1082;
	s9 =	sld [smem:$0x3FB5]  }
0x2f: {  	lr =	sadd.s32 s0, s3;
	s0 =	sld [smem:$0x3FAC]  }
0x30: {  	s3 =	sld [smem:$0x3FAF]  }
0x31: {  	[smem:$0x3FB8] =	sst s10  }
0x32: {  	s10 =	sld [smem:$0x3FB6];
	_ =	sdelay $0x3  }
0x33: {  	p0 =	seq.s32 s10, $0x1;
	s10 =	sld [smem:$0x3FB8];
	_ =	sdelay $0x3  }
0x34: {  	[smem:$0x3FB8] =	sst s10  }
0x35: {  	s10 =	sld [smem:$0x3FB7];
	_ =	sdelay $0x3  }
0x36: {  	p1 =	seq.s32 s10, $0x1;
	s10 =	sld [smem:$0x3FB8];
	_ =	sdelay $0x3  }
0x37: {  	[smem:$0x3FB8] =	sst s10  }
0x38: {  	s10 =	sld [smem:$0x3FB9]  }
0x39: {  	_ = 	snop;
	(pc) =	sbr.ind lr, $3  }
0x3a: {  	_ = 	snop  }
0x3b: {  	_ = 	snop  }
0x3c: {  	p2 =	seq.s32 s10, $0x1;
	s10 =	sld [smem:$0x3FB8]  }
0x3d: {  	_ =	shalt  }
0x3e: {  	_ =	shalt  }
0x3f: {  	_ =	shalt  }
0x40: {  	_ =	shalt  }
0x41: {  	_ =	shalt  }
0x42: {  	_ =	shalt  }
0x43: {  	_ =	shalt  }
0x44: {  	_ =	shalt  }
0x45: {  	_ =	shalt  }
0x46: {  	_ =	shalt  }
0x47: {  	_ =	shalt  }
0x48: {  	_ =	shalt  }
0x49: {  	_ =	shalt  }
0x4a: {  	_ =	shalt  }
0x4b: {  	_ =	shalt  }
0x4c: {  	_ =	shalt  }
0x4d: {  	_ =	shalt  }
0x4e: {  	_ =	shalt  }
0x4f: {  	_ =	shalt  }
0x50: {  	_ =	shalt  }
0x51: {  	_ =	shalt  }
0x52: {  	_ =	shalt  }
0x53: {  	_ =	shalt  }
0x54: {  	_ =	shalt  }
0x55: {  	_ =	shalt  }
0x56: {  	_ =	shalt  }
0x57: {  	_ =	shalt  }
0x58: {  	_ =	shalt  }
0x59: {  	_ =	shalt  }
0x5a: {  	_ =	shalt  }
0x5b: {  	_ =	shalt  }
0x5c: {  	_ =	shalt  }
0x5d: {  	_ =	shalt  }
0x5e: {  	_ =	shalt  }
0x5f: {  	_ =	shalt  }
0x60: {  	_ =	shalt  }
0x61: {  	_ =	shalt  }
0x62: {  	_ =	shalt  }
0x63: {  	_ =	shalt  }
0x64: {  	_ =	shalt  }
0x65: {  	_ =	shalt  }
0x66: {  	_ =	shalt  }
0x67: {  	_ =	shalt  }
0x68: {  	_ =	shalt  }
0x69: {  	_ =	shalt  }
0x6a: {  	_ =	shalt  }
0x6b: {  	_ =	shalt  }
0x6c: {  	_ =	shalt  }
0x6d: {  	_ =	shalt  }
0x6e: {  	_ =	shalt  }
0x6f: {  	_ =	shalt  }
0x70: {  	_ =	shalt  }
0x71: {  	_ =	shalt  }
0x72: {  	_ =	shalt  }
0x73: {  	_ =	shalt  }
0x74: {  	_ =	shalt  }
0x75: {  	_ =	shalt  }
0x76: {  	_ =	shalt  }
0x77: {  	_ =	shalt  }
0x78: {  	_ =	shalt  }
0x79: {  	_ =	shalt  }
0x7a: {  	_ =	shalt  }
0x7b: {  	_ =	shalt  }
0x7c: {  	_ =	shalt  }
0x7d: {  	_ =	shalt  }
0x7e: {  	_ =	shalt  }
0x7f: {  	_ =	shalt  }
0x80: {  	_ =	shalt  }
0x81: {  	_ =	shalt  }
0x82: {  	_ =	shalt  }
0x83: {  	_ =	shalt  }
0x84: {  	_ =	shalt  }
0x85: {  	_ =	shalt  }
0x86: {  	_ =	shalt  }
0x87: {  	_ =	shalt  }
.Lfunc_end0:
.L_simem_size_0:
called_computation_lowered:
.L_overlay_start_0:
0x88: {  	s0 =	sld [smem:$0x3FD9]  }
0x89: {  	s1 =	sld [smem:$0x3FFE];
	_ =	sdelay $0x3  }
0x8a: {  	s0 =	sadd.s32 s1, s0  }
0x8b: {  	[smem:$0x3FC4] =	sst s0  }
0x8c: {  	_ = 	snop  }
0x8d: {  	s0 =	sld [smem:$0x3FC8]  }
0x8e: {  	s16 =	sld [smem:$0x3FC7]  }
0x8f: {  	s2 =	sld [smem:$0x3FC6]  }
0x90: {  	s3 =	sld [smem:$0x3FD0];
	(tm) =	ssettm $0x1  }
0x91: {  	s4 =	sld [smem:$0x3FFB];
	_ =	sdelay $0x3  }
0x92: {  	_ =	strace s4  }
0x93: {  	s4 =	sld [smem:$0x3FFC];
	_ =	sdelay $0x3  }
0x94: {  	_ =	strace s4  }
0x95: {  	s4 =	sld [smem:$0x3FFD];
	_ =	sdelay $0x3  }
0x96: {  	_ =	strace s4  }
0x97: {  	_ =	strace $0x8FFFFFFF  }
0x98: {  	s17 =	sld [smem:$0x3FDB];
	_ =	sdelay $0x1  }
0x99: {  	s5 =	simm.s32 $_scs_section_size  }
0x9a: {  	s6 =	simm.s32 $_size__tile_overlayer_lowered;
	s7 =	simm.s32 $_tile_overlayer_lowered  }
0x9b: {  	s20 =	simm.s32 $0x1BFF;
	s19 =	sshll.u32 s7, $0x1;
	s4 =	sadd.s32 s5, s17  }
0x9c: {  	s8 =	simm.s32 $0x0;
	s18 =	sshll.u32 s6, $0x1;
	s6 =	sadd.s32 s19, s4  }
0x9d: {  	[timem:s8], [sflag:s20] =	dma.local [hbm:s6], s18  }
0x9e: {  	_ =	swait.ge [sflag:s20], s18  }
0x9f: {  	s5 =	ssub.s32 $0x0, s18;
	[sflag:s20] =	ssyncset.done $0x0  }
0xa0: {  	[sflag:s20] =	ssyncadd.s32 s5;
	_ =	sdelay $0x1  }
0xa1: {  	s21 =	simm.s32 $0x1B8B  }
0xa2: {  	_ =	swait.ge [sflag:s21], $0x1  }
0xa3: {  	[sflag:s21] =	ssyncset.done $0x0  }
0xa4: {  	s23 =	simm.s32 $0x1B8E;
	s22 =	sld [smem:$0x3FFE];
	[sflag:s21] =	ssyncadd.s32 $0xFFFFFFFF  }
0xa5: {  	s24 =	simm.s32 $execute0_lowered;
	[smem:$0x3FD2] =	sst s23  }
0xa6: {  	s6 =	sshll.u32 s24, $0x1;
	_ =	strace $0x80000046;
	[dreg:$0x1] =	wrdreg $0xFFFFFFFF  }
0xa7: {  	s25 =	simm.s32 $_size_execute0_lowered;
	s4 =	sadd.s32 s4, s6;
	[dreg:$0x0] =	wrdreg $0x0  }
0xa8: {  	s6 =	sshll.u32 s25, $0x1;
	[dreg:$0x2] =	wrdreg s4  }
0xa9: {  	[dreg:$0x3] =	wrdreg s6  }
0xaa: {  	[dreg:$0x4] =	wrdreg $0xC0  }
0xab: {  	_ =	task [dreg:s8], $0x5FFFF  }
0xac: {  	[dreg:$0x1] =	wrdreg $0xFFFFFFFF  }
0xad: {  	[dreg:$0x0] =	wrdreg $0x60  }
0xae: {  	[dreg:$0x2] =	wrdreg s22  }
0xaf: {  	[dreg:$0x3] =	wrdreg s0  }
0xb0: {  	[dreg:$0x4] =	wrdreg s2  }
0xb1: {  	[dreg:$0x5] =	wrdreg s16  }
0xb2: {  	[dreg:$0x6] =	wrdreg s3  }
0xb3: {  	[dreg:$0x7] =	wrdreg $0x9  }
0xb4: {  	_ =	task.clear_ibuf [dreg:s8], $0x8FFFF;
	_ =	strace $0x90000046  }
0xb5: {  	s26 =	simm.s32 $0x9;
	_ =	strace $0x80000048  }
0xb6: {  	_ =	swait.ge [sflag:s26], $0x1  }
0xb7: {  	[sflag:s26] =	ssyncadd.s32 $0xFFFFFFFF  }
0xb8: {  	_ =	strace $0x90000048  }
0xb9: {  	_ =	sfence  }
0xba: {  	s28 =	sld [smem:$0x0];
	_ =	sdelay $0x1  }
0xbb: {  	s29 =	srdreg.scid  }
0xbc: {  	s30 =	sshll.u32 s29, $0xD;
	s31 =	sshrl.u32 s29, $0x2  }
0xbd: {  	s1 =	sand.u32 $0x1, s29;
	s2 =	sand.u32 $0x4000, s30;
	s0 =	sadd.s32 s31, s28  }
0xbe: {  	s1 =	sor.u32 s2, s1;
	s0 =	sshll.u32 s0, $0x11  }
0xbf: {  	s0 =	sor.u32 s0, s1  }
0xc0: {  	s0 =	sadd.s32 $0x8F2B, s0  }
0xc1: {  	[sflag:s0] =	ssyncadd.remote.s32 $0x1  }
0xc2: {  	_ =	sfence.sel $0xFFFF  }
0xc3: {  	[dreg:$0x0] =	wrdreg $0xFFFFFFFF;
	(pc) =	sbr.abs _section_cstart, $3  }
0xc4: {  	[dreg:$0x1] =	wrdreg $0xFFFFFFFF  }
0xc5: {  	_ =	task.clear_ibuf [dreg:s8], $0x2FFFF;
	_ =	strace $0x9FFFFFFF  }
0xc6: {  	(tm) =	ssettm $0x7FFFFFFF  }
0xc7: {  	_ =	shalt  }
tec
execute0_lowered:
.L_overlay_start_1:
0x0: {  	(tag) =	ssettag $0x1  }
0x1: {  	s5 =	rddreg [dreg:$0x0];
	s4 =	stileid.u32  }
0x2: {  	s7 =	rddreg [dreg:$0x1];
	p0 =	sne.s32 s4, $0x0  }
.Ltmp0:
0x3: {  	s3 =	rddreg [dreg:$0x2];
	(pc) =	sbr.rel @p0 .LBB2_2-.Ltmp0, $4  }
0x4: {  	s6 =	rddreg [dreg:$0x3]  }
0x5: {  	s1 =	rddreg [dreg:$0x4];
	s2 =	simm.s32 $0x0  }
0x6: {  	[smem:$0x7FF] =	sst s2  }
0x7: {  	s0 =	rddreg [dreg:$0x5];
	_ =	strace $0x80000047  }
0x8: {  	s4 =	simm.s32 $0x600  }
0x9: {  	[tilespmem:s4], [sflag:$0x2] =	stream.linear.gather [hbm4b:s7+s2], $0x400, $0x38;
	[tilespmem:$0xD00] =	vst v63  }
0xa: {  	s23 =	simm.s32 $0xA00  }
0xb: {  	[tilespmem:s23], [sflag:$0x2] =	stream.linear.gather [hbm4b:s3+s2], $0x1F4, $0x38;
	[tilespmem:$0xD00] =	vst v63  }
0xc: {  	s24 =	simm.s32 $0x3  }
0xd: {  	[tilespmem:s2], [sflag:$0x3] =	stream.linear.gather [hbm4b:s6+s2], $0x1F4, $0x38;
	[tilespmem:$0xD00] =	vst v63  }
0xe: {  	_ =	swait.ge [sflag:s24], $0x1F4  }
0xf: {  	[sflag:s24] =	ssyncset.done $0x0  }
0x10: {  	[sflag:s24] =	ssyncadd.s32 $0xFFFFFE0C  }
0x11: {  	v0 =	vld [tilespmem:$0x1F0];
	_ =	sdelay $0x3  }
0x12: {  	vm0 =	vmmov $0xf  }
0x13: {  	v0 =	vnsel vm0, $0x0, v0  }
0x14: {  	s5 =	sadd.s32 $0x400, s5;
	s25 =	simm.s32 $0x200;
	[tilespmem:$0x1F0] =	vst v0  }
0x15: {  	[tilespmem:s25], [sflag:$0x1] =	stream.indirect.gather [hbm4b:s5+s25], $0x1, s2, s25, $0xb8;
	[tilespmem:$0xD00] =	vst v63  }
0x16: {  	s26 =	simm.s32 $0x400;
	s28 =	simm.s32 $0x2;
	s5 =	sadd.s32 $0x2420, s5  }
0x17: {  	[tilespmem:s26], [sflag:$0x1] =	stream.indirect.gather [hbm4b:s5+s25], $0x1, s2, s25, $0xb8;
	[tilespmem:$0xD00] =	vst v63  }
0x18: {  	_ =	swait.ge [sflag:s28], $0x400  }
0x19: {  	[sflag:s28] =	ssyncset.done $0x0  }
0x1a: {  	[sflag:s28] =	ssyncadd.s32 $0xFFFFFC00  }
0x1b: {  	_ =	swait.ge [sflag:s28], $0x1F4  }
0x1c: {  	[sflag:s28] =	ssyncset.done $0x0  }
0x1d: {  	[sflag:s28] =	ssyncadd.s32 $0xFFFFFE0C  }
0x1e: {  	v42 =	vld [tilespmem:$0xBF0];
	_ =	sdelay $0x4  }
0x1f: {  	v0 =	vnsel vm0, $0x0, v42  }
0x20: {  	s29 =	simm.s32 $0x1;
	[tilespmem:$0xBF0] =	vst v0  }
0x21: {  	_ =	swait.ge [sflag:s29], $0x200  }
0x22: {  	[sflag:s29] =	ssyncset.done $0x0  }
0x23: {  	[sflag:s29] =	ssyncadd.s32 $0xFFFFFE00  }
0x24: {  	_ =	swait.ge [sflag:s29], $0x200  }
0x25: {  	[sflag:s29] =	ssyncset.done $0x0  }
0x26: {  	[sflag:s29] =	ssyncadd.s32 $0xFFFFFE00  }
0x27: {  	v18 =	vld [tilespmem:$0xA00]  }
0x28: {  	v1 =	vld [tilespmem:$0x200]  }
0x29: {  	v3 =	vld [tilespmem:$0x600]  }
0x2a: {  	v4 =	vld [tilespmem:$0x400]  }
0x2b: {  	v6 =	vld [tilespmem:$0x680]  }
0x2c: {  	v15 =	vld [tilespmem:$0xA10]  }
0x2d: {  	v8 =	vld [tilespmem:$0x210]  }
0x2e: {  	v9 =	vld [tilespmem:$0x610]  }
0x2f: {  	v11 =	vld [tilespmem:$0x410]  }
0x30: {  	v13 =	vld [tilespmem:$0x690]  }
0x31: {  	v12 =	vld [tilespmem:$0xA20]  }
0x32: {  	v14 =	vld [tilespmem:$0x220]  }
0x33: {  	v16 =	vld [tilespmem:$0x620]  }
0x34: {  	v17 =	vld [tilespmem:$0x420]  }
0x35: {  	v19 =	vld [tilespmem:$0x6A0]  }
0x36: {  	v10 =	vld [tilespmem:$0xA30]  }
0x37: {  	v20 =	vld [tilespmem:$0x230]  }
0x38: {  	v21 =	vld [tilespmem:$0x630]  }
0x39: {  	v22 =	vld [tilespmem:$0x430]  }
0x3a: {  	v23 =	vld [tilespmem:$0x6B0]  }
0x3b: {  	v7 =	vld [tilespmem:$0xA40]  }
0x3c: {  	v24 =	vld [tilespmem:$0x240]  }
0x3d: {  	v25 =	vld [tilespmem:$0x640]  }
0x3e: {  	v26 =	vld [tilespmem:$0x440]  }
0x3f: {  	v27 =	vld [tilespmem:$0x6C0]  }
0x40: {  	v5 =	vld [tilespmem:$0xA50]  }
0x41: {  	v28 =	vld [tilespmem:$0x250]  }
0x42: {  	v29 =	vld [tilespmem:$0x650]  }
0x43: {  	v30 =	vld [tilespmem:$0x450]  }
0x44: {  	v31 =	vld [tilespmem:$0x6D0]  }
0x45: {  	v2 =	vld [tilespmem:$0xA60]  }
0x46: {  	v32 =	vld [tilespmem:$0x260]  }
0x47: {  	v33 =	vld [tilespmem:$0x660]  }
0x48: {  	v34 =	vld [tilespmem:$0x460]  }
0x49: {  	v35 =	vld [tilespmem:$0x6E0]  }
0x4a: {  	v37 =	vld [tilespmem:$0x270]  }
0x4b: {  	v38 =	vld [tilespmem:$0x470]  }
0x4c: {  	v39 =	vld [tilespmem:$0x6F0];
	v36 =	vmul.f32 v1, v18  }
0x4d: {  	v3 =	vmul.f32 v3, v18;
	v1 =	vld [tilespmem:$0xA70];
	v4 =	vmul.f32 v4, v18  }
0x4e: {  	v6 =	vmul.f32 v6, v18;
	v47 =	vmul.f32 v14, v12;
	v14 =	vld [tilespmem:$0x700]  }
0x4f: {  	v8 =	vmul.f32 v8, v15;
	v49 =	vmul.f32 v17, v12;
	v17 =	vld [tilespmem:$0x480]  }
0x50: {  	v9 =	vmul.f32 v9, v15;
	v50 =	vmul.f32 v19, v12;
	v19 =	vld [tilespmem:$0x780]  }
0x51: {  	v44 =	vmul.f32 v11, v15;
	v51 =	vmul.f32 v20, v10;
	v20 =	vld [tilespmem:$0x290]  }
0x52: {  	v45 =	vmul.f32 v13, v15;
	v53 =	vmul.f32 v22, v10;
	v22 =	vld [tilespmem:$0x490]  }
0x53: {  	v56 =	vmul.f32 v25, v7;
	v25 =	vld [tilespmem:$0x790];
	v3 =	vsub.f32 v36, v3;
	v4 =	vsub.f32 v4, v6  }
0x54: {  	v52 =	vmul.f32 v21, v10;
	v21 =	vld [tilespmem:$0x2A0];
	v58 =	vmul.f32 v26, v7  }
0x55: {  	v26 =	vld [tilespmem:$0x720];
	v8 =	vsub.f32 v8, v9;
	v43 =	vand.u32 $0x7FFFFFFF, v3;
	v4 =	vand.u32 $0x7FFFFFFF, v4  }
0x56: {  	v48 =	vmul.f32 v16, v12;
	v59 =	vmul.f32 v27, v7;
	v27 =	vld [tilespmem:$0x4A0];
	v4 =	vadd.f32 v4, v43  }
0x57: {  	v61 =	vmul.f32 v28, v5;
	v28 =	vld [tilespmem:$0x7A0];
	v9 =	vsub.f32 v44, v45;
	v46 =	vand.u32 $0x7FFFFFFF, v8  }
0x58: {  	v55 =	vmul.f32 v24, v7;
	v24 =	vld [tilespmem:$0x2B0];
	v4 =	vadd.f32 v46, v4  }
0x59: {  	v62 =	vmul.f32 v29, v5;
	v29 =	vld [tilespmem:$0x730];
	v11 =	vsub.f32 v47, v48;
	v9 =	vand.u32 $0x7FFFFFFF, v9  }
0x5a: {  	v42 =	vmul.f32 v32, v2;
	v32 =	vld [tilespmem:$0x4B0];
	v9 =	vadd.f32 v9, v4  }
0x5b: {  	v36 =	vld [tilespmem:$0x670];
	v6 =	vsub.f32 v49, v50;
	v11 =	vand.u32 $0x7FFFFFFF, v11  }
0x5c: {  	v48 =	vld [tilespmem:$0x2C0];
	v9 =	vadd.f32 v11, v9  }
0x5d: {  	v54 =	vmul.f32 v23, v10;
	v13 =	vsub.f32 v51, v52;
	v49 =	vld [tilespmem:$0x740];
	v6 =	vand.u32 $0x7FFFFFFF, v6  }
0x5e: {  	v52 =	vld [tilespmem:$0x7C0];
	v9 =	vadd.f32 v6, v9  }
0x5f: {  	v16 =	vsub.f32 v53, v54;
	v53 =	vld [tilespmem:$0x2D0];
	v13 =	vand.u32 $0x7FFFFFFF, v13  }
0x60: {  	v63 =	vmul.f32 v30, v5;
	v40 =	vmul.f32 v31, v5;
	v54 =	vld [tilespmem:$0x750];
	v9 =	vadd.f32 v13, v9  }
0x61: {  	v57 =	vsub.f32 v55, v56;
	v60 =	vsub.f32 v58, v59;
	v59 =	vld [tilespmem:$0x760];
	v16 =	vand.u32 $0x7FFFFFFF, v16  }
0x62: {  	v23 =	vsub.f32 v61, v62;
	v62 =	vld [tilespmem:$0x4E0];
	v9 =	vadd.f32 v16, v9  }
0x63: {  	v41 =	vsub.f32 v63, v40;
	v63 =	vld [tilespmem:$0x7E0];
	v13 =	vand.u32 $0x7FFFFFFF, v57  }
0x64: {  	v44 =	vmul.f32 v34, v2;
	v45 =	vmul.f32 v35, v2;
	v3 =	vld [tilespmem:$0xA80];
	v13 =	vadd.f32 v13, v9  }
0x65: {  	v8 =	vld [tilespmem:$0x280];
	v16 =	vand.u32 $0x7FFFFFFF, v60  }
0x66: {  	v31 =	vsub.f32 v44, v45;
	v44 =	vld [tilespmem:$0x4F0];
	v13 =	vadd.f32 v16, v13  }
0x67: {  	v23 =	vand.u32 $0x7FFFFFFF, v23;
	v45 =	vld [tilespmem:$0x7F0];
	v43 =	vmul.f32 v33, v2  }
0x68: {  	v33 =	vld [tilespmem:$0x7B0];
	v50 =	vmul.f32 v38, v1;
	v51 =	vmul.f32 v39, v1;
	v23 =	vadd.f32 v23, v13  }
0x69: {  	v30 =	vsub.f32 v42, v43;
	v46 =	vmul.f32 v37, v1;
	v4 =	vld [tilespmem:$0xA90];
	v16 =	vand.u32 $0x7FFFFFFF, v41  }
0x6a: {  	v8 =	vmul.f32 v8, v3;
	v14 =	vmul.f32 v14, v3;
	v11 =	vld [tilespmem:$0x710];
	v16 =	vadd.f32 v16, v23  }
0x6b: {  	v39 =	vld [tilespmem:$0x4D0];
	v47 =	vmul.f32 v36, v1;
	v30 =	vand.u32 $0x7FFFFFFF, v30;
	v17 =	vmul.f32 v17, v3  }
0x6c: {  	v42 =	vld [tilespmem:$0x770];
	v19 =	vmul.f32 v19, v3;
	v8 =	vsub.f32 v8, v14;
	v16 =	vadd.f32 v30, v16  }
0x6d: {  	v31 =	vand.u32 $0x7FFFFFFF, v31;
	v35 =	vsub.f32 v50, v51;
	v50 =	vld [tilespmem:$0x800];
	v23 =	vsub.f32 v46, v47  }
0x6e: {  	v17 =	vsub.f32 v17, v19;
	v6 =	vld [tilespmem:$0xAA0];
	v56 =	vand.u32 $0x7FFFFFFF, v8;
	v31 =	vadd.f32 v31, v16  }
0x6f: {  	v8 =	vld [tilespmem:$0xAE0];
	v20 =	vmul.f32 v20, v4;
	v11 =	vmul.f32 v11, v4;
	v23 =	vand.u32 $0x7FFFFFFF, v23  }
0x70: {  	v19 =	vld [tilespmem:$0x7D0];
	v58 =	vmul.f32 v25, v4;
	v57 =	vmul.f32 v22, v4;
	v23 =	vadd.f32 v23, v31  }
0x71: {  	v35 =	vand.u32 $0x7FFFFFFF, v35;
	v11 =	vsub.f32 v20, v11;
	v9 =	vld [tilespmem:$0xAB0]  }
0x72: {  	v20 =	vsub.f32 v57, v58;
	v58 =	vld [tilespmem:$0x890];
	v55 =	vadd.f32 v35, v23  }
0x73: {  	v60 =	vmul.f32 v21, v6;
	v13 =	vld [tilespmem:$0xAC0]  }
0x74: {  	v61 =	vmul.f32 v26, v6;
	v25 =	vmul.f32 v59, v8;
	v59 =	vld [tilespmem:$0x320];
	v14 =	vadd.f32 v56, v55  }
0x75: {  	v17 =	vand.u32 $0x7FFFFFFF, v17;
	v40 =	vmul.f32 v28, v6;
	v22 =	vmul.f32 v63, v8;
	v63 =	vld [tilespmem:$0x8A0]  }
0x76: {  	v11 =	vand.u32 $0x7FFFFFFF, v11;
	v41 =	vld [tilespmem:$0x2F0];
	v24 =	vmul.f32 v24, v9;
	v14 =	vadd.f32 v17, v14  }
0x77: {  	v20 =	vand.u32 $0x7FFFFFFF, v20;
	v43 =	vmul.f32 v29, v9;
	v32 =	vmul.f32 v32, v9;
	v47 =	vld [tilespmem:$0x300]  }
0x78: {  	v33 =	vmul.f32 v33, v9;
	v30 =	vld [tilespmem:$0x4C0];
	v48 =	vmul.f32 v48, v13;
	v14 =	vadd.f32 v11, v14  }
0x79: {  	v49 =	vmul.f32 v49, v13;
	v16 =	vld [tilespmem:$0xAD0];
	v35 =	vmul.f32 v27, v6;
	v17 =	vsub.f32 v60, v61  }
0x7a: {  	v46 =	vsub.f32 v32, v33;
	v51 =	vmul.f32 v52, v13;
	v52 =	vld [tilespmem:$0x880];
	v14 =	vadd.f32 v20, v14  }
0x7b: {  	v32 =	vsub.f32 v48, v49;
	v48 =	vld [tilespmem:$0x830];
	v21 =	vsub.f32 v35, v40;
	v17 =	vand.u32 $0x7FFFFFFF, v17  }
0x7c: {  	v49 =	vld [tilespmem:$0x530];
	v17 =	vadd.f32 v17, v14  }
0x7d: {  	v24 =	vsub.f32 v24, v43;
	v23 =	vld [tilespmem:$0x2E0];
	v21 =	vand.u32 $0x7FFFFFFF, v21  }
0x7e: {  	v30 =	vmul.f32 v30, v13;
	v37 =	vmul.f32 v53, v16;
	v53 =	vld [tilespmem:$0x310];
	v17 =	vadd.f32 v21, v17  }
0x7f: {  	v24 =	vand.u32 $0x7FFFFFFF, v24;
	v31 =	vmul.f32 v54, v16;
	v54 =	vld [tilespmem:$0x810]  }
0x80: {  	v30 =	vsub.f32 v30, v51;
	v51 =	vld [tilespmem:$0x340];
	v17 =	vadd.f32 v24, v17  }
0x81: {  	v56 =	vld [tilespmem:$0x510];
	v21 =	vand.u32 $0x7FFFFFFF, v46  }
0x82: {  	v19 =	vmul.f32 v19, v16;
	v55 =	vmul.f32 v39, v16;
	v40 =	vld [tilespmem:$0x360];
	v21 =	vadd.f32 v21, v17  }
0x83: {  	v32 =	vand.u32 $0x7FFFFFFF, v32;
	v39 =	vld [tilespmem:$0x390];
	v31 =	vsub.f32 v37, v31  }
0x84: {  	v37 =	vsub.f32 v55, v19;
	v19 =	vld [tilespmem:$0xB20];
	v21 =	vadd.f32 v32, v21  }
0x85: {  	v26 =	vmul.f32 v62, v8;
	v30 =	vand.u32 $0x7FFFFFFF, v30;
	v11 =	vld [tilespmem:$0xAF0]  }
0x86: {  	v60 =	vld [tilespmem:$0x820];
	v21 =	vadd.f32 v30, v21  }
0x87: {  	v22 =	vsub.f32 v26, v22;
	v61 =	vld [tilespmem:$0x520];
	v57 =	vand.u32 $0x7FFFFFFF, v31;
	v23 =	vmul.f32 v23, v8  }
0x88: {  	vm14 =	vcmask $0x300;
	v20 =	vld [tilespmem:$0xB30];
	v21 =	vadd.f32 v57, v21  }
0x89: {  	v22 =	vand.u32 $0x7FFFFFFF, v22;
	v37 =	vand.u32 $0x7FFFFFFF, v37;
	v23 =	vsub.f32 v23, v25;
	v14 =	vld [tilespmem:$0xB00]  }
0x8a: {  	v55 =	vld [tilespmem:$0x8C0];
	v28 =	vmul.f32 v41, v11;
	v62 =	vmul.f32 v42, v11;
	v21 =	vadd.f32 v37, v21  }
0x8b: {  	v23 =	vand.u32 $0x7FFFFFFF, v23;
	v43 =	vmul.f32 v44, v11;
	v44 =	vmul.f32 v45, v11;
	v24 =	vld [tilespmem:$0x500]  }
0x8c: {  	v25 =	vmul.f32 v60, v19;
	v26 =	vmul.f32 v61, v19;
	v60 =	vld [tilespmem:$0x550];
	v21 =	vadd.f32 v23, v21  }
0x8d: {  	v45 =	vld [tilespmem:$0x330];
	v42 =	vsub.f32 v28, v62;
	v28 =	vsub.f32 v43, v44;
	v29 =	vmul.f32 v49, v20  }
0x8e: {  	v46 =	vmul.f32 v47, v14;
	v47 =	vmul.f32 v50, v14;
	v17 =	vld [tilespmem:$0xB10];
	v21 =	vadd.f32 v22, v21  }
0x8f: {  	v41 =	vld [tilespmem:$0x860];
	v28 =	vand.u32 $0x7FFFFFFF, v28;
	v36 =	vmul.f32 v52, v14;
	v23 =	vand.u32 $0x7FFFFFFF, v42  }
0x90: {  	v62 =	vld [tilespmem:$0x8D0];
	v24 =	vmul.f32 v24, v14;
	v30 =	vmul.f32 v59, v19;
	v23 =	vadd.f32 v23, v21  }
0x91: {  	v49 =	vld [tilespmem:$0x8E0];
	v59 =	vmul.f32 v63, v19;
	v63 =	vadd.f32 $0.0e+00, v18;
	v22 =	vsub.f32 v46, v47  }
0x92: {  	v50 =	vld [tilespmem:$0x8B0];
	v61 =	vmul.f32 v45, v20;
	v24 =	vsub.f32 v24, v36;
	v23 =	vadd.f32 v28, v23  }
0x93: {  	v52 =	vld [tilespmem:$0x840];
	v33 =	vmul.f32 v53, v17;
	v32 =	vmul.f32 v54, v17;
	v22 =	vand.u32 $0x7FFFFFFF, v22  }
0x94: {  	v45 =	vld [tilespmem:$0x560];
	v53 =	vmul.f32 v56, v17;
	v42 =	vadd.f32 v15, v63;
	v22 =	vadd.f32 v22, v23  }
0x95: {  	v18 =	vld [tilespmem:$0xB60];
	v31 =	vmul.f32 v58, v17;
	v24 =	vand.u32 $0x7FFFFFFF, v24;
	v32 =	vsub.f32 v33, v32  }
0x96: {  	vm1 =	vcmask $0x704;
	v54 =	vld [tilespmem:$0x540];
	v12 =	vadd.f32 v12, v42;
	v24 =	vadd.f32 v24, v22  }
0x97: {  	vm2 =	vcmask $0xB08;
	v58 =	vld [tilespmem:$0x850];
	v56 =	vand.u32 $0x7FFFFFFF, v32;
	v23 =	vsub.f32 v53, v31  }
0x98: {  	v27 =	vmul.f32 v50, v20;
	v21 =	vld [tilespmem:$0xB40];
	v12 =	vadd.f32 v10, v12;
	v24 =	vadd.f32 v56, v24  }
0x99: {  	v36 =	vld [tilespmem:$0x980];
	v25 =	vsub.f32 v30, v25;
	v26 =	vsub.f32 v26, v59;
	v23 =	vand.u32 $0x7FFFFFFF, v23  }
0x9a: {  	vm15 =	vcmask $0xF0C;
	v57 =	vld [tilespmem:$0x350];
	v7 =	vadd.f32 v7, v12;
	v23 =	vadd.f32 v23, v24  }
0x9b: {  	v34 =	vmul.f32 v48, v20;
	v25 =	vand.u32 $0x7FFFFFFF, v25;
	v15 =	vld [tilespmem:$0xB70];
	v46 =	vsub.f32 v29, v27  }
0x9c: {  	v26 =	vand.u32 $0x7FFFFFFF, v26;
	v53 =	vld [tilespmem:$0x870];
	v7 =	vadd.f32 v5, v7;
	v23 =	vadd.f32 v25, v23  }
0x9d: {  	v47 =	vmul.f32 v51, v21;
	v48 =	vmul.f32 v52, v21;
	v51 =	vld [tilespmem:$0x370];
	v24 =	vsub.f32 v61, v34  }
0x9e: {  	v50 =	vmul.f32 v54, v21;
	v33 =	vmul.f32 v55, v21;
	v22 =	vld [tilespmem:$0xB50];
	v43 =	vadd.f32 v26, v23  }
0x9f: {  	v63 =	vld [tilespmem:$0x580];
	v7 =	vadd.f32 v2, v7;
	v27 =	vsub.f32 v47, v48;
	v44 =	vand.u32 $0x7FFFFFFF, v24  }
0xa0: {  	v29 =	vmul.f32 v49, v18;
	v10 =	vld [tilespmem:$0xB80];
	v52 =	vsub.f32 v50, v33;
	v23 =	vadd.f32 v44, v43  }
0xa1: {  	v5 =	vld [tilespmem:$0xB90];
	v1 =	vadd.f32 v1, v7;
	v27 =	vand.u32 $0x7FFFFFFF, v27;
	v26 =	vand.u32 $0x7FFFFFFF, v46  }
0xa2: {  	v54 =	vld [tilespmem:$0x570];
	v38 =	vmul.f32 v53, v15;
	v37 =	vmul.f32 v51, v15;
	v23 =	vadd.f32 v26, v23  }
0xa3: {  	v55 =	vld [tilespmem:$0x8F0];
	v3 =	vadd.f32 v3, v1;
	v32 =	vmul.f32 v57, v22;
	v31 =	vmul.f32 v58, v22  }
0xa4: {  	v2 =	vld [tilespmem:$0xBA0];
	v56 =	vmul.f32 v60, v22;
	v35 =	vmul.f32 v62, v22;
	v23 =	vadd.f32 v27, v23  }
0xa5: {  	v53 =	vld [tilespmem:$0x920];
	v57 =	vmul.f32 v41, v18;
	v31 =	vsub.f32 v32, v31;
	v26 =	vand.u32 $0x7FFFFFFF, v52  }
0xa6: {  	v50 =	vld [tilespmem:$0x3A0];
	v25 =	vmul.f32 v40, v18;
	v24 =	vmul.f32 v45, v18;
	v23 =	vadd.f32 v26, v23  }
0xa7: {  	v61 =	vld [tilespmem:$0x900];
	v40 =	vmul.f32 v54, v15;
	v60 =	vsub.f32 v56, v35;
	v59 =	vand.u32 $0x7FFFFFFF, v31  }
0xa8: {  	v1 =	vld [tilespmem:$0xBB0];
	v54 =	vmul.f32 v39, v5;
	v3 =	vadd.f32 v4, v3;
	v12 =	vadd.f32 v59, v23  }
0xa9: {  	v58 =	vld [tilespmem:$0x380];
	v62 =	vsub.f32 v25, v57;
	v24 =	vsub.f32 v24, v29;
	v35 =	vand.u32 $0x7FFFFFFF, v60  }
0xaa: {  	v34 =	vld [tilespmem:$0x5B0];
	v25 =	vmul.f32 v63, v10;
	v33 =	vmul.f32 v53, v2;
	v12 =	vadd.f32 v35, v12  }
0xab: {  	v39 =	vld [tilespmem:$0x940];
	v6 =	vadd.f32 v6, v3;
	v53 =	vimm.s32 $0x80;
	v23 =	vand.u32 $0x7FFFFFFF, v62  }
0xac: {  	v3 =	vld [tilespmem:$0xBC0];
	v47 =	vmul.f32 v61, v10;
	v28 =	vsel vm14, $0x3F0, v53;
	v12 =	vadd.f32 v23, v12  }
0xad: {  	v41 =	vld [tilespmem:$0x910];
	v42 =	vand.u32 $0x7FFFFFFF, v24;
	v43 =	vsub.f32 v37, v38;
	v27 =	vmul.f32 v55, v15  }
0xae: {  	v60 =	vld [tilespmem:$0x3B0];
	v46 =	vmul.f32 v58, v10;
	v6 =	vadd.f32 v9, v6;
	v12 =	vadd.f32 v42, v12  }
0xaf: {  	v44 =	vld [tilespmem:$0x590];
	v28 =	vsel vm1, $0x3F1, v28;
	v24 =	vand.u32 $0x7FFFFFFF, v43;
	v23 =	vsub.f32 v40, v27  }
0xb0: {  	v45 =	vld [tilespmem:$0x990];
	v51 =	vsub.f32 v46, v47;
	v52 =	vmul.f32 v36, v10;
	v48 =	vadd.f32 v24, v12  }
0xb1: {  	v56 =	vld [tilespmem:$0x5A0];
	v6 =	vadd.f32 v13, v6;
	v46 =	vmul.f32 v39, v3;
	v49 =	vand.u32 $0x7FFFFFFF, v23  }
0xb2: {  	v63 =	vld [tilespmem:$0x930];
	v55 =	vmul.f32 v41, v5;
	v57 =	vand.u32 $0x7FFFFFFF, v51;
	v7 =	vadd.f32 v49, v48  }
0xb3: {  	v13 =	vld [tilespmem:$0xBD0];
	v58 =	vsub.f32 v25, v52;
	v38 =	vmul.f32 v60, v1;
	v41 =	vmul.f32 v34, v1  }
0xb4: {  	v6 =	vadd.f32 v16, v6;
	v26 =	vmul.f32 v44, v5;
	v59 =	vld [tilespmem:$0x9A0];
	v7 =	vadd.f32 v57, v7  }
0xb5: {  	v51 =	vld [tilespmem:$0x9D0];
	v27 =	vmul.f32 v45, v5;
	v12 =	vsub.f32 v54, v55;
	v24 =	vand.u32 $0x7FFFFFFF, v58  }
0xb6: {  	v37 =	vld [tilespmem:$0x3C0];
	v52 =	vimm.s32 $0x0;
	v6 =	vadd.f32 v8, v6;
	v61 =	vadd.f32 v24, v7  }
0xb7: {  	v36 =	vld [tilespmem:$0x9B0];
	v32 =	vsub.f32 v26, v27;
	v23 =	vmul.f32 v50, v2;
	v62 =	vand.u32 $0x7FFFFFFF, v12  }
0xb8: {  	v6 =	vadd.f32 v11, v6;
	v35 =	vmul.f32 v56, v2;
	v4 =	vadd.f32 v62, v61  }
0xb9: {  	v25 =	vmul.f32 v59, v2;
	v23 =	vsub.f32 v23, v33;
	v24 =	vand.u32 $0x7FFFFFFF, v32  }
0xba: {  	v43 =	vld [tilespmem:$0x5C0];
	v60 =	vmul.f32 v51, v13;
	v56 =	vsel vm2, $0x3F2, v28;
	v4 =	vadd.f32 v24, v4  }
0xbb: {  	v47 =	vld [tilespmem:$0x3D0];
	v23 =	vand.u32 $0x7FFFFFFF, v23;
	v12 =	vmul.f32 v63, v1;
	v7 =	vsub.f32 v35, v25  }
0xbc: {  	v44 =	vld [tilespmem:$0x9C0];
	v45 =	vmul.f32 v37, v3;
	v42 =	vmul.f32 v36, v1;
	v4 =	vadd.f32 v23, v4  }
0xbd: {  	v26 =	vsel vm14, $0x370, v52;
	v48 =	vld [tilespmem:$0x950];
	v40 =	vsub.f32 v38, v12;
	v7 =	vand.u32 $0x7FFFFFFF, v7  }
0xbe: {  	v37 =	vimm.s32 $0x76543210;
	v50 =	vld [tilespmem:$0x5D0];
	v26 =	vsel vm1, $0x371, v26;
	v4 =	vadd.f32 v7, v4  }
0xbf: {  	v27 =	vld [tilespmem:$0xBE0];
	v26 =	vsel vm2, $0x372, v26;
	v12 =	vsub.f32 v41, v42;
	v9 =	vand.u32 $0x7FFFFFFF, v40  }
0xc0: {  	v54 =	vld [tilespmem:$0x3E0];
	v26 =	vsel vm15, $0x373, v26;
	v49 =	vmul.f32 v43, v3;
	v4 =	vadd.f32 v9, v4  }
0xc1: {  	v55 =	vld [tilespmem:$0x960];
	v12 =	vand.u32 $0x7FFFFFFF, v12;
	v7 =	vmul.f32 v44, v3;
	v9 =	vsub.f32 v45, v46  }
0xc2: {  	v63 =	vld [tilespmem:$0x3F0];
	v16 =	vmul.f32 v48, v13;
	v24 =	vmul.f32 v47, v13;
	v4 =	vadd.f32 v12, v4  }
0xc3: {  	v57 =	vld [tilespmem:$0x5E0];
	v7 =	vsub.f32 v49, v7;
	v9 =	vand.u32 $0x7FFFFFFF, v9;
	v12 =	vsel vm15, $0x3F3, v56  }
0xc4: {  	v6 =	vadd.f32 v14, v6;
	v59 =	vld [tilespmem:$0x9E0];
	v38 =	vunpack.c.l.s4.s8 v37;
	v4 =	vadd.f32 v9, v4  }
0xc5: {  	v30 =	vld.idx.msk [tilespmem:v26+s4+$0x0], $0xffff;
	v58 =	vsub.f32 v24, v16;
	v23 =	vmul.f32 v50, v13;
	v7 =	vand.u32 $0x7FFFFFFF, v7  }
0xc6: {  	v32 =	vld [tilespmem:$0x5F0];
	v35 =	vimm.s32 $0xFEDCBA98;
	v61 =	vmul.f32 v54, v27;
	v4 =	vadd.f32 v7, v4  }
0xc7: {  	v62 =	vmul.f32 v55, v27;
	v24 =	vsub.f32 v23, v60;
	v9 =	vand.u32 $0x7FFFFFFF, v58  }
0xc8: {  	v34 =	vmul.f32 v63, v0;
	v31 =	vmul.f32 v57, v27;
	v33 =	vld.idx.msk [tilespmem:v12+s4+$0x0], $0xffff;
	v4 =	vadd.f32 v9, v4  }
0xc9: {  	v16 =	vmul.f32 v59, v27;
	v8 =	vand.u32 $0x7FFFFFFF, v24;
	v7 =	vsub.f32 v61, v62  }
0xca: {  	v36 =	vmul.f32 v30, v0;
	v12 =	vunpack.c.l.s4.s8 v35;
	v4 =	vadd.f32 v8, v4  }
0xcb: {  	v39 =	vmul.f32 v32, v0;
	v7 =	vand.u32 $0x7FFFFFFF, v7;
	v9 =	vsub.f32 v31, v16  }
0xcc: {  	v11 =	vsub.f32 v34, v36;
	v12 =	vunpack.c.0.s8.s32 v12;
	v4 =	vadd.f32 v7, v4  }
0xcd: {  	v9 =	vand.u32 $0x7FFFFFFF, v9;
	v8 =	vmul.f32 v33, v0;
	v7 =	vunpack.c.0.s8.s32 v38  }
0xce: {  	v6 =	vadd.f32 v17, v6;
	v40 =	vand.u32 $0xF, v12;
	v4 =	vadd.f32 v9, v4  }
0xcf: {  	v41 =	vand.u32 $0x7FFFFFFF, v11;
	v8 =	vsub.f32 v39, v8;
	v7 =	vcombine.low v40, v7  }
0xd0: {  	v6 =	vadd.f32 v19, v6;
	v4 =	vadd.f32 v41, v4  }
0xd1: {  	v43 =	vimm.s32 $0x32107654;
	v42 =	vimm.s32 $0xBA98FEDC;
	v8 =	vand.u32 $0x7FFFFFFF, v8  }
0xd2: {  	v44 =	vunpack.c.l.s4.s8 v42;
	v45 =	vunpack.c.l.s4.s8 v43;
	v4 =	vadd.f32 v8, v4  }
0xd3: {  	v6 =	vadd.f32 v20, v6  }
0xd4: {  	s30 =	simm.s32 $0xC00;
	v9 =	vunpack.c.0.s8.s32 v45;
	v8 =	vunpack.c.0.s8.s32 v44;
	[tilespmem:$0xC00] =	vst v4  }
0xd5: {  	v6 =	vadd.f32 v21, v6;
	v46 =	vld.idx.msk [tilespmem:v7+s30+$0x0], $0xffff  }
0xd6: {  	v8 =	vcombine.low v9, v8  }
0xd7: {  	v6 =	vadd.f32 v22, v6  }
0xd8: {  	v8 =	vand.u32 $0xF, v8  }
0xd9: {  	v6 =	vadd.f32 v18, v6;
	v48 =	vimm.s32 $0x54761032;
	v47 =	vimm.s32 $0xDCFE98BA  }
0xda: {  	v49 =	vunpack.c.l.s4.s8 v48;
	v9 =	vunpack.c.l.s4.s8 v47;
	v4 =	vadd.f32 v4, v46  }
0xdb: {  	v6 =	vadd.f32 v15, v6  }
0xdc: {  	v11 =	vunpack.c.0.s8.s32 v49;
	v9 =	vunpack.c.0.s8.s32 v9;
	[tilespmem:$0xC00] =	vst v4  }
0xdd: {  	v6 =	vadd.f32 v10, v6;
	v50 =	vld.idx.msk [tilespmem:v8+s30+$0x0], $0xffff  }
0xde: {  	v9 =	vcombine.low v11, v9  }
0xdf: {  	v5 =	vadd.f32 v5, v6  }
0xe0: {  	v51 =	vand.u32 $0xF, v9  }
0xe1: {  	v53 =	vimm.s32 $0x67452301;
	v52 =	vimm.s32 $0xEFCDAB89;
	v2 =	vadd.f32 v2, v5  }
0xe2: {  	v5 =	vunpack.c.l.s4.s8 v52;
	v9 =	vunpack.c.l.s4.s8 v53;
	v4 =	vadd.f32 v4, v50  }
0xe3: {  	v1 =	vadd.f32 v1, v2  }
0xe4: {  	v54 =	vunpack.c.0.s8.s32 v5;
	v55 =	vunpack.c.0.s8.s32 v9;
	[tilespmem:$0xC00] =	vst v4  }
0xe5: {  	v1 =	vadd.f32 v3, v1;
	v56 =	vld.idx.msk [tilespmem:v51+s30+$0x0], $0xffff  }
0xe6: {  	v2 =	vcombine.low v55, v54  }
0xe7: {  	v1 =	vadd.f32 v13, v1  }
0xe8: {  	v2 =	vand.u32 $0xF, v2  }
0xe9: {  	v1 =	vadd.f32 v27, v1  }
0xea: {  	v57 =	vadd.f32 v56, v4  }
0xeb: {  	v0 =	vadd.f32 v1, v0  }
0xec: {  	[tilespmem:$0xC00] =	vst v57  }
0xed: {  	v58 =	vld.idx.msk [tilespmem:v2+s30+$0x0], $0xffff;
	[tilespmem:$0xC00] =	vst v0  }
0xee: {  	v59 =	vld.idx.msk [tilespmem:v7+s30+$0x0], $0xffff;
	_ =	sdelay $0x4  }
0xef: {  	v0 =	vadd.f32 v59, v0;
	_ =	sdelay $0x1  }
0xf0: {  	[tilespmem:$0xC00] =	vst v0  }
0xf1: {  	v60 =	vld.idx.msk [tilespmem:v8+s30+$0x0], $0xffff;
	_ =	sdelay $0x4  }
0xf2: {  	v0 =	vadd.f32 v60, v0;
	_ =	sdelay $0x1  }
0xf3: {  	[tilespmem:$0xC00] =	vst v0  }
0xf4: {  	v61 =	vld.idx.msk [tilespmem:v51+s30+$0x0], $0xffff;
	_ =	sdelay $0x4  }
0xf5: {  	v0 =	vadd.f32 v61, v0;
	_ =	sdelay $0x1  }
0xf6: {  	[tilespmem:$0xC00] =	vst v0  }
0xf7: {  	v2 =	vld.idx.msk [tilespmem:v2+s30+$0x0], $0xffff;
	_ =	sdelay $0x4  }
0xf8: {  	v0 =	vadd.f32 v2, v0;
	_ =	sdelay $0x1  }
0xf9: {  	v0 =	vadd.f32 $9.999999740e-05, v0;
	_ =	sdelay $0x1  }
0xfa: {  	(erf) = vrcp.f32 v0;
	_ =	sdelay $0x7  }
0xfb: {  	v62 =	vadd.f32 v58, v57  }
0xfc: {  	v63 =	vpop (erf)  }
0xfd: {  	v0 =	vmul.f32 v63, v62;
	_ =	sdelay $0x1  }
0xfe: {  	s31 =	simm.s32 $0xC80;
	[tilespmem:$0xC80] =	vst v0  }
0xff: {  	[hbm4b:s1+s2] =	stream.linear.scatter [tilespmem:s31], [sflag:$0x3], $0x1, $0x38;
	[tilespmem:$0xD00] =	vst v63  }
0x100: {  	_ =	swait.ge [sflag:s24], $0x1  }
0x101: {  	[sflag:s24] =	ssyncset.done $0x0  }
0x102: {  	[sflag:s24] =	ssyncadd.s32 $0xFFFFFFFF  }
.LBB2_2:
0x103: {  	_ =	sfence.sel $0x180000  }
0x104: {  	[bflag:$0x0] =	sbarrier.arrive $0xFFFF  }
0x105: {  	_ =	strace $0x90000047  }
0x106: {  	s0 =	sadd.s32 @!p0 $0x100000, s0;
	[bflag:$0x2] =	sbarrier.arrive $0xFFFF  }
0x107: {  	[sflag:s0] =	ssyncadd.tile.s32 @!p0 $0x1;
	_ =	shalt  }
.Lfunc_end2:
_tile_overlayer_lowered:
.L_overlay_start_2:
0x108: {  	(tag) =	ssettag $0x2  }
0x109: {  	s0 =	rddreg [dreg:$0x0];
	s2 =	stileid.u32  }
0x10a: {  	s1 =	rddreg [dreg:$0x1];
	p0 =	sne.s32 s2, $0x0  }
0x10b: {  	s3 =	rddreg [dreg:$0x2];
	[bflag:$0x3] =	sbarrier.arrive $0xFFFF;
	s2 =	simm.s32 @!p0 $0x1C03  }
0x10c: {  	[timem:s3], [sflag:s2] =	dma.local @!p0 [hbm:s0], s1  }
0x10d: {  	s0 =	simm.s32 @!p0 $0x3  }
0x10e: {  	_ =	swait.ge @!p0 [sflag:s0], s1  }
0x10f: {  	s1 =	ssub.s32 @!p0 $0x0, s1;
	[sflag:s0] =	ssyncset.done @!p0 $0x0  }
0x110: {  	[sflag:s0] =	ssyncadd.s32 @!p0 s1  }
0x111: {  	[bflag:$0x3] =	sbarrier.arrive $0xFFFF  }
0x112: {  	_ =	shalt  }

</sc_bundles>
